<compile_context>
chip_gen: v7x
topology: tpu7x:2x2x1
jax: 0.10.2.dev20260603
libtpu: 0.0.44.dev20260713+nightly
codegen_flags: <defaults>
</compile_context>

<pallas_src>
import jax
import jax.numpy as jnp
from jax import lax
from jax.experimental import pallas as pl
from jax.experimental.pallas import tpu as pltpu
from jax.experimental.pallas import tpu_sc as plsc

E = 0.1
CENTER = 1.0 - E
B, S, L = 16, 2048, 512
N = B * S
NC, NS = 2, 16
NW = NC * NS
TPW = N // NW
HALF = TPW // 2
ROWS = 4096
NBLK = N // ROWS


def _sc_body(labels_hbm, logits_hbm, dot_hbm, wsum_hbm,
             labs_v, xb_v, dot_v, wsum_v):
    cid = lax.axis_index("c")
    sid = lax.axis_index("s")
    wid = sid * NC + cid
    base = wid * TPW
    @pl.when(wid == 0)
    def _():
        pltpu.sync_copy(labels_hbm.at[pl.ds(0, TPW + 8)],
                        labs_v.at[pl.ds(8, TPW + 8)])

    @pl.when(wid == NW - 1)
    def _():
        pltpu.sync_copy(labels_hbm.at[pl.ds(N - TPW - 8, TPW + 8)],
                        labs_v.at[pl.ds(0, TPW + 8)])

    @pl.when((wid > 0) & (wid < NW - 1))
    def _():
        pltpu.sync_copy(labels_hbm.at[pl.ds(base - 8, TPW + 16)], labs_v)

    cbase = (wid % (S // TPW)) * TPW

    for h in range(TPW // HALF):
        pltpu.sync_copy(
            logits_hbm.at[pl.ds(base + h * HALF, HALF), pl.ds(0, 128)], xb_v)

        def group(g, carry):
            t0 = h * HALF + g * 16
            lane = lax.iota(jnp.int32, 16)
            tloc = t0 + lane
            c = cbase + tloc
            rs = []
            for j in range(-2, 3):
                rj = labs_v[pl.ds(t0 + 8 + j, 16)]
                vj = ((c + j) >= 0) & ((c + j) < S)
                rs.append(jnp.where(vj, rj, -1))
            dot = jnp.zeros(16, jnp.float32)
            ws = jnp.zeros(16, jnp.float32)
            for j in range(-2, 3):
                rj = rs[j + 2]
                bnd = (rj >= 0) & (rj < 16) & ((rj & 1) == 1)
                keep = bnd
                for jp in range(j + 1, 3):
                    keep = keep & (rs[jp + 2] != rj)
                if j == 0:
                    val = jnp.full(16, CENTER, jnp.float32)
                else:
                    cp = c + j
                    val = jnp.full(16, E / 4, jnp.float32)
                    val = jnp.where((cp == 1) | (cp == S - 2), E / 3, val)
                    val = jnp.where((cp == 0) | (cp == S - 1), E / 2, val)
                w = jnp.where(keep, val, 0.0)
                gj = plsc.load_gather(
                    xb_v, [g * 16 + lane, jnp.where(keep, rj, 0)])
                dot = dot + w * gj
                ws = ws + w
            r0 = rs[2]
            bnd0 = (r0 < 16) & ((r0 & 1) == 1)
            ws = ws + jnp.where(bnd0, 0.0, 1.0)
            dot_v[pl.ds(t0, 16)] = dot
            wsum_v[pl.ds(t0, 16)] = ws
            return carry

        lax.fori_loop(0, HALF // 16, group, 0)

    pltpu.sync_copy(dot_v, dot_hbm.at[pl.ds(base, TPW)])
    pltpu.sync_copy(wsum_v, wsum_hbm.at[pl.ds(base, TPW)])


def _sc_sparse_part(logits, label_ids):
    mesh = plsc.VectorSubcoreMesh(core_axis_name="c", subcore_axis_name="s",
                                  num_cores=NC, num_subcores=NS)
    k = pl.kernel(
        _sc_body,
        out_type=(jax.ShapeDtypeStruct((N,), jnp.float32),
                  jax.ShapeDtypeStruct((N,), jnp.float32)),
        mesh=mesh,
        scratch_types=[
            pltpu.VMEM((TPW + 16,), jnp.int32),
            pltpu.VMEM((HALF, 128), jnp.float32),
            pltpu.VMEM((TPW,), jnp.float32),
            pltpu.VMEM((TPW,), jnp.float32),
        ],
        compiler_params=pltpu.CompilerParams(needs_layout_passes=False),
    )
    return k(label_ids, logits)


def _tc_lse_body(x_ref, lab_ref, lse_ref, own_ref):
    i = pl.program_id(0)
    x = x_ref[0]
    r0 = lab_ref[...][:, None]
    bnd0 = (r0 < 16) & (r0 % 2 == 1)
    iota_l = jax.lax.broadcasted_iota(jnp.int32, (ROWS, L), 1)
    g0 = jnp.sum(jnp.where(iota_l == r0, x, 0.0), axis=1, keepdims=True)
    m = jnp.max(x, axis=1, keepdims=True)
    lse = m + jnp.log(jnp.sum(jnp.exp(x - m), axis=1, keepdims=True))
    lse_ref[...] = lse[:, 0]

    @pl.when(i == 0)
    def _():
        own_ref[0, 0, 0] = 0.0
    own_ref[0, 0, 0] += jnp.sum(jnp.where(bnd0, 0.0, g0))


def _tc_combine_body(lse_ref, dot_ref, wsum_ref, own_ref, out_ref):
    tot = jnp.sum(wsum_ref[...] * lse_ref[...] - dot_ref[...])
    out_ref[0, 0, 0] = (tot - own_ref[0, 0, 0]) / N


@jax.jit
def kernel(logits, label_ids):
    dot, wsum = _sc_sparse_part(logits, label_ids)
    lse, own = pl.pallas_call(
        _tc_lse_body,
        grid=(NBLK,),
        in_specs=[
            pl.BlockSpec((1, ROWS, L), lambda i: (i, 0, 0)),
            pl.BlockSpec((ROWS,), lambda i: (i,)),
        ],
        out_specs=[
            pl.BlockSpec((ROWS,), lambda i: (i,)),
            pl.BlockSpec((1, 1, 1), lambda i: (0, 0, 0),
                         memory_space=pltpu.SMEM),
        ],
        out_shape=[
            jax.ShapeDtypeStruct((N,), jnp.float32),
            jax.ShapeDtypeStruct((1, 1, 1), jnp.float32),
        ],
    )(logits.reshape(NBLK, ROWS, L), label_ids)
    combined = pl.pallas_call(
        _tc_combine_body,
        grid=(1,),
        in_specs=[
            pl.BlockSpec((N,), lambda i: (0,)),
            pl.BlockSpec((N,), lambda i: (0,)),
            pl.BlockSpec((N,), lambda i: (0,)),
            pl.BlockSpec(memory_space=pltpu.SMEM),
        ],
        out_specs=pl.BlockSpec((1, 1, 1), lambda i: (0, 0, 0),
                               memory_space=pltpu.SMEM),
        out_shape=jax.ShapeDtypeStruct((1, 1, 1), jnp.float32),
    )(lse, dot, wsum, own)
    return combined[0, 0, 0]

# --- scband reference (transcript-rebuilt; emitter-appended) ---
"""Pipeline reference for scband-cross-entropy-bound-smooth-loss-60052232732847 (READ-ONLY COPY).

The authoritative reference and input builder live on the scoring server;
editing this copy changes nothing except your own understanding.
"""

import jax, jax.numpy as jnp
import numpy as np
from jax import lax

E = 0.1
D = 2
BOUND_IDS = [1, 3, 5, 7, 9, 11, 13, 15]
B = 16
S = 2048
L = 512


def _smooth_targets(label_ids):
    # Faithful reproduction of the torch target-smoothing construction.
    # This is purely a function of integer label_ids (constant w.r.t. logits);
    # the scatter_/index_fill/nonzero semantics are expressed with fixed-shape
    # masked updates, preserving the original row-major overwrite order.
    bound = jnp.asarray(BOUND_IDS, dtype=jnp.int32)
    denom_vals = jnp.asarray([np.float32(E / d) for d in range(1, 2 * D + 1)],
                             dtype=jnp.float32)
    center_val = jnp.asarray(np.float32(1.0 - E))
    bound_rows = jnp.zeros((L,), dtype=jnp.float32).at[bound].set(1.0)
    labels = label_ids.reshape(B, S)
    cols = jnp.arange(S)

    def per_batch(lab):
        label_tensor = (jnp.arange(L)[:, None] == lab[None, :]).astype(jnp.float32)  # [L, S]
        masked0 = label_tensor * bound_rows[:, None]
        reversed_mask = label_tensor * (1.0 - bound_rows)[:, None]

        def body(c, masked):
            r = lab[c]
            is_bound = (bound == r).any()
            low = jnp.maximum(0, c - D)
            high = jnp.minimum(S - 1, c + D)
            v = denom_vals[high - low - 1]
            row = masked[r]
            in_win = (cols >= low) & (cols <= high)
            new_row = jnp.where(in_win, jnp.where(cols == c, center_val, v), row)
            new_row = jnp.where(is_bound, new_row, row)
            return masked.at[r].set(new_row)

        masked = lax.fori_loop(0, S, body, masked0)
        return (masked + reversed_mask).T

    return jax.vmap(per_batch)(labels).reshape(-1, L)


def setup_inputs(seed: int = 0) -> dict:
    key = jax.random.key(seed)
    k1, k2 = jax.random.split(key)
    logits = jax.random.normal(k1, (B * S, L), dtype=jnp.float32)
    label_ids = jax.random.randint(k2, (B * S,), 0, L, dtype=jnp.int32)
    return {"logits": logits, "label_ids": label_ids}


def reference(logits, label_ids):
    log_probs = jax.nn.log_softmax(logits, axis=1)
    smoothed = _smooth_targets(label_ids)
    loss = (-smoothed * log_probs).mean(0).sum()
    return loss

if __name__ == "__main__":
    import jax
    _d = setup_inputs()
    print(jax.jit(kernel)(*tuple(_d.values())))

</pallas_src>

<mosaic_0001>
#map = affine_map<(d0, d1) -> (0)>
#map1 = affine_map<(d0, d1) -> (0, 0)>
module attributes {stable_mosaic.version = 14 : i64} {
  func.func @_sc_body(%arg0: i32, %arg1: i32, %arg2: memref<32768xi32, #tpu.memory_space<hbm>>, %arg3: memref<32768x512xf32, #tpu.memory_space<hbm>>, %arg4: memref<32768xf32, #tpu.memory_space<hbm>>, %arg5: memref<32768xf32, #tpu.memory_space<hbm>>, %arg6: memref<1040xi32, #tpu.memory_space<vmem>>, %arg7: memref<512x128xf32, #tpu.memory_space<vmem>>, %arg8: memref<1024xf32, #tpu.memory_space<vmem>>, %arg9: memref<1024xf32, #tpu.memory_space<vmem>>) attributes {dimension_semantics = [#tpu.dimension_semantics<core_parallel>, #tpu.dimension_semantics<subcore_parallel>], iteration_bounds = array<i64: 2, 16>, scalar_prefetch = 0 : i64, scratch_operands = 4 : i64, tpu.core_type = #tpu.core_type<sc_vector_subcore>, window_params = [{transform_indices = #map}, {transform_indices = #map1}, {transform_indices = #map}, {transform_indices = #map}]} {
    %mul3A = arith.constant 2 : i32
    %mul3A_0 = arith.muli %arg1, %mul3A : i32
    %add3A = arith.addi %mul3A_0, %arg0 : i32
    %mul3A_1 = arith.constant 1024 : i32
    %mul3A_2 = arith.muli %add3A, %mul3A_1 : i32
    %eq3A = arith.constant 0 : i32
    %eq3A_3 = arith.cmpi eq, %add3A, %eq3A : i32
    %convert_element_type3A = arith.extui %eq3A_3 : i1 to i32
    %cond3A = arith.constant 0 : i32
    %cond3A_4 = arith.cmpi ne, %convert_element_type3A, %cond3A : i32
    scf.if %cond3A_4 {
      "tpu.region"() ({
        %run_scoped3A = tpu.sem_alloc : memref<!tpu.dma_semaphore, #tpu.memory_space<semaphore_mem>>
        %dma_start3A = arith.constant 8 : i32
        %dma_start3A_44 = tpu.memref_slice %arg6[%dma_start3A] : memref<1040xi32, #tpu.memory_space<vmem>> -> memref<1032xi32, #tpu.memory_space<vmem>>
        %dma_start3A_45 = arith.constant 0 : i32
        %dma_start3A_46 = tpu.memref_slice %arg2[%dma_start3A_45] : memref<32768xi32, #tpu.memory_space<hbm>> -> memref<1032xi32, #tpu.memory_space<hbm>>
        %dma_start3A_47 = arith.constant 8 : i32
        %dma_start3A_48 = tpu.memref_slice %arg6[%dma_start3A_47] : memref<1040xi32, #tpu.memory_space<vmem>> -> memref<1032xi32, #tpu.memory_space<vmem>>
        %dma_start3A_49 = arith.constant 0 : i32
        %dma_start3A_50 = tpu.memref_slice %arg2[%dma_start3A_49] : memref<32768xi32, #tpu.memory_space<hbm>> -> memref<1032xi32, #tpu.memory_space<hbm>>
        tpu.enqueue_dma source(%dma_start3A_50 : memref<1032xi32, #tpu.memory_space<hbm>>) target(%dma_start3A_48 : memref<1032xi32, #tpu.memory_space<vmem>>) target_semaphore(%run_scoped3A : memref<!tpu.dma_semaphore, #tpu.memory_space<semaphore_mem>>)
        %dma_wait3A = arith.constant 8 : i32
        %dma_wait3A_51 = tpu.memref_slice %arg6[%dma_wait3A] : memref<1040xi32, #tpu.memory_space<vmem>> -> memref<1032xi32, #tpu.memory_space<vmem>>
        %dma_wait3A_52 = arith.constant 0 : i32
        %dma_wait3A_53 = tpu.memref_slice %arg2[%dma_wait3A_52] : memref<32768xi32, #tpu.memory_space<hbm>> -> memref<1032xi32, #tpu.memory_space<hbm>>
        %dma_wait3A_54 = arith.constant 8 : i32
        %dma_wait3A_55 = tpu.memref_slice %arg6[%dma_wait3A_54] : memref<1040xi32, #tpu.memory_space<vmem>> -> memref<1032xi32, #tpu.memory_space<vmem>>
        %dma_wait3A_56 = arith.constant 0 : i32
        %dma_wait3A_57 = tpu.memref_slice %arg2[%dma_wait3A_56] : memref<32768xi32, #tpu.memory_space<hbm>> -> memref<1032xi32, #tpu.memory_space<hbm>>
        tpu.wait_dma2 semaphore(%run_scoped3A : memref<!tpu.dma_semaphore, #tpu.memory_space<semaphore_mem>>) src(%dma_wait3A_57 : memref<1032xi32, #tpu.memory_space<hbm>>) dst(%dma_wait3A_55 : memref<1032xi32, #tpu.memory_space<vmem>>)
        tpu.yield
      }) : () -> ()
    } else {
    }
    %eq3A_5 = arith.constant 31 : i32
    %eq3A_6 = arith.cmpi eq, %add3A, %eq3A_5 : i32
    %convert_element_type3A_7 = arith.extui %eq3A_6 : i1 to i32
    %cond3A_8 = arith.constant 0 : i32
    %cond3A_9 = arith.cmpi ne, %convert_element_type3A_7, %cond3A_8 : i32
    scf.if %cond3A_9 {
      "tpu.region"() ({
        %run_scoped3A = tpu.sem_alloc : memref<!tpu.dma_semaphore, #tpu.memory_space<semaphore_mem>>
        %dma_start3A = arith.constant 0 : i32
        %dma_start3A_44 = tpu.memref_slice %arg6[%dma_start3A] : memref<1040xi32, #tpu.memory_space<vmem>> -> memref<1032xi32, #tpu.memory_space<vmem>>
        %dma_start3A_45 = arith.constant 31736 : i32
        %dma_start3A_46 = tpu.memref_slice %arg2[%dma_start3A_45] : memref<32768xi32, #tpu.memory_space<hbm>> -> memref<1032xi32, #tpu.memory_space<hbm>>
        %dma_start3A_47 = arith.constant 0 : i32
        %dma_start3A_48 = tpu.memref_slice %arg6[%dma_start3A_47] : memref<1040xi32, #tpu.memory_space<vmem>> -> memref<1032xi32, #tpu.memory_space<vmem>>
        %dma_start3A_49 = arith.constant 31736 : i32
        %dma_start3A_50 = tpu.memref_slice %arg2[%dma_start3A_49] : memref<32768xi32, #tpu.memory_space<hbm>> -> memref<1032xi32, #tpu.memory_space<hbm>>
        tpu.enqueue_dma source(%dma_start3A_50 : memref<1032xi32, #tpu.memory_space<hbm>>) target(%dma_start3A_48 : memref<1032xi32, #tpu.memory_space<vmem>>) target_semaphore(%run_scoped3A : memref<!tpu.dma_semaphore, #tpu.memory_space<semaphore_mem>>)
        %dma_wait3A = arith.constant 0 : i32
        %dma_wait3A_51 = tpu.memref_slice %arg6[%dma_wait3A] : memref<1040xi32, #tpu.memory_space<vmem>> -> memref<1032xi32, #tpu.memory_space<vmem>>
        %dma_wait3A_52 = arith.constant 31736 : i32
        %dma_wait3A_53 = tpu.memref_slice %arg2[%dma_wait3A_52] : memref<32768xi32, #tpu.memory_space<hbm>> -> memref<1032xi32, #tpu.memory_space<hbm>>
        %dma_wait3A_54 = arith.constant 0 : i32
        %dma_wait3A_55 = tpu.memref_slice %arg6[%dma_wait3A_54] : memref<1040xi32, #tpu.memory_space<vmem>> -> memref<1032xi32, #tpu.memory_space<vmem>>
        %dma_wait3A_56 = arith.constant 31736 : i32
        %dma_wait3A_57 = tpu.memref_slice %arg2[%dma_wait3A_56] : memref<32768xi32, #tpu.memory_space<hbm>> -> memref<1032xi32, #tpu.memory_space<hbm>>
        tpu.wait_dma2 semaphore(%run_scoped3A : memref<!tpu.dma_semaphore, #tpu.memory_space<semaphore_mem>>) src(%dma_wait3A_57 : memref<1032xi32, #tpu.memory_space<hbm>>) dst(%dma_wait3A_55 : memref<1032xi32, #tpu.memory_space<vmem>>)
        tpu.yield
      }) : () -> ()
    } else {
    }
    %gt3A = arith.constant 0 : i32
    %gt3A_10 = arith.cmpi sgt, %add3A, %gt3A : i32
    %lt3A = arith.constant 31 : i32
    %lt3A_11 = arith.cmpi slt, %add3A, %lt3A : i32
    %and3A = arith.andi %gt3A_10, %lt3A_11 : i1
    %convert_element_type3A_12 = arith.extui %and3A : i1 to i32
    %cond3A_13 = arith.constant 0 : i32
    %cond3A_14 = arith.cmpi ne, %convert_element_type3A_12, %cond3A_13 : i32
    scf.if %cond3A_14 {
      %sub3A = arith.constant 8 : i32
      %sub3A_44 = arith.subi %mul3A_2, %sub3A : i32
      "tpu.region"() ({
        %run_scoped3A = tpu.sem_alloc : memref<!tpu.dma_semaphore, #tpu.memory_space<semaphore_mem>>
        %dma_start3A = tpu.memref_slice %arg2[%sub3A_44] : memref<32768xi32, #tpu.memory_space<hbm>> -> memref<1040xi32, #tpu.memory_space<hbm>>
        %dma_start3A_45 = tpu.memref_slice %arg2[%sub3A_44] : memref<32768xi32, #tpu.memory_space<hbm>> -> memref<1040xi32, #tpu.memory_space<hbm>>
        tpu.enqueue_dma source(%dma_start3A_45 : memref<1040xi32, #tpu.memory_space<hbm>>) target(%arg6 : memref<1040xi32, #tpu.memory_space<vmem>>) target_semaphore(%run_scoped3A : memref<!tpu.dma_semaphore, #tpu.memory_space<semaphore_mem>>)
        %dma_wait3A = tpu.memref_slice %arg2[%sub3A_44] : memref<32768xi32, #tpu.memory_space<hbm>> -> memref<1040xi32, #tpu.memory_space<hbm>>
        %dma_wait3A_46 = tpu.memref_slice %arg2[%sub3A_44] : memref<32768xi32, #tpu.memory_space<hbm>> -> memref<1040xi32, #tpu.memory_space<hbm>>
        tpu.wait_dma2 semaphore(%run_scoped3A : memref<!tpu.dma_semaphore, #tpu.memory_space<semaphore_mem>>) src(%dma_wait3A_46 : memref<1040xi32, #tpu.memory_space<hbm>>) dst(%arg6 : memref<1040xi32, #tpu.memory_space<vmem>>)
        tpu.yield
      }) : () -> ()
    } else {
    }
    %jit3A = arith.constant 2 : i32
    %eq3A_15 = arith.constant 0 : i32
    %eq3A_16 = arith.cmpi eq, %jit3A, %eq3A_15 : i32
    %jit3A_17 = arith.constant 1 : i32
    %select_n3A = arith.select %eq3A_16, %jit3A_17, %jit3A : i32
    %rem3A = arith.remsi %add3A, %select_n3A : i32
    %ne3A = arith.constant 0 : i32
    %ne3A_18 = arith.cmpi ne, %rem3A, %ne3A : i32
    %lt3A_19 = arith.constant 0 : i32
    %lt3A_20 = arith.cmpi slt, %rem3A, %lt3A_19 : i32
    %lt3A_21 = arith.constant 0 : i32
    %lt3A_22 = arith.cmpi slt, %select_n3A, %lt3A_21 : i32
    %ne3A_23 = arith.xori %lt3A_20, %lt3A_22 : i1
    %and3A_24 = arith.andi %ne3A_23, %ne3A_18 : i1
    %add3A_25 = arith.addi %rem3A, %select_n3A : i32
    %select_n3A_26 = arith.select %and3A_24, %add3A_25, %rem3A : i32
    %mul3A_27 = arith.constant 1024 : i32
    %mul3A_28 = arith.muli %select_n3A_26, %mul3A_27 : i32
    %add3A_29 = arith.constant 0 : i32
    %add3A_30 = arith.addi %mul3A_2, %add3A_29 : i32
    "tpu.region"() ({
      %run_scoped3A = tpu.sem_alloc : memref<!tpu.dma_semaphore, #tpu.memory_space<semaphore_mem>>
      %dma_start3A = arith.constant 0 : i32
      %dma_start3A_44 = tpu.memref_slice %arg3[%add3A_30, %dma_start3A] : memref<32768x512xf32, #tpu.memory_space<hbm>> -> memref<512x128xf32, #tpu.memory_space<hbm>>
      %dma_start3A_45 = arith.constant 0 : i32
      %dma_start3A_46 = tpu.memref_slice %arg3[%add3A_30, %dma_start3A_45] : memref<32768x512xf32, #tpu.memory_space<hbm>> -> memref<512x128xf32, #tpu.memory_space<hbm>>
      tpu.enqueue_dma source(%dma_start3A_46 : memref<512x128xf32, #tpu.memory_space<hbm>>) target(%arg7 : memref<512x128xf32, #tpu.memory_space<vmem>>) target_semaphore(%run_scoped3A : memref<!tpu.dma_semaphore, #tpu.memory_space<semaphore_mem>>)
      %dma_wait3A = arith.constant 0 : i32
      %dma_wait3A_47 = tpu.memref_slice %arg3[%add3A_30, %dma_wait3A] : memref<32768x512xf32, #tpu.memory_space<hbm>> -> memref<512x128xf32, #tpu.memory_space<hbm>>
      %dma_wait3A_48 = arith.constant 0 : i32
      %dma_wait3A_49 = tpu.memref_slice %arg3[%add3A_30, %dma_wait3A_48] : memref<32768x512xf32, #tpu.memory_space<hbm>> -> memref<512x128xf32, #tpu.memory_space<hbm>>
      tpu.wait_dma2 semaphore(%run_scoped3A : memref<!tpu.dma_semaphore, #tpu.memory_space<semaphore_mem>>) src(%dma_wait3A_49 : memref<512x128xf32, #tpu.memory_space<hbm>>) dst(%arg7 : memref<512x128xf32, #tpu.memory_space<vmem>>)
      tpu.yield
    }) : () -> ()
    %scan3A = arith.constant 0 : i32
    %scan3A_31 = arith.constant 0 : i32
    %scan3A_32 = arith.constant 32 : i32
    %scan3A_33 = arith.addi %scan3A_31, %scan3A_32 : i32
    %scan3A_34 = arith.constant 1 : i32
    scf.for %scan3A_44 = %scan3A_31 to %scan3A_33 step %scan3A_34  : i32 {
      %mul3A_45 = arith.constant 16 : i32
      %mul3A_46 = arith.muli %scan3A_44, %mul3A_45 : i32
      %add3A_47 = arith.constant 0 : i32
      %add3A_48 = arith.addi %add3A_47, %mul3A_46 : i32
      %iota3A = tpu.iota {dimensions = array<i32: 0>} : vector<16xi32>
      %add3A_49 = vector.broadcast %add3A_48 : i32 to vector<16xi32>
      %add3A_50 = arith.addi %add3A_49, %iota3A : vector<16xi32>
      %add3A_51 = vector.broadcast %mul3A_28 : i32 to vector<16xi32>
      %add3A_52 = arith.addi %add3A_51, %add3A_50 : vector<16xi32>
      %add3A_53 = arith.constant 8 : i32
      %add3A_54 = arith.addi %add3A_48, %add3A_53 : i32
      %add3A_55 = arith.constant -2 : i32
      %add3A_56 = arith.addi %add3A_54, %add3A_55 : i32
      %get3A = arith.index_cast %add3A_56 : i32 to index
      %get3A_57 = tpu.vector_load %arg6[%get3A] {strides = array<i32>} : memref<1040xi32, #tpu.memory_space<vmem>>, vector<16xi32>,
      %add3A_58 = arith.constant -2 : i32
      %add3A_59 = vector.broadcast %add3A_58 : i32 to vector<16xi32>
      %add3A_60 = arith.addi %add3A_52, %add3A_59 : vector<16xi32>
      %ge3A = arith.constant 0 : i32
      %ge3A_61 = vector.broadcast %ge3A : i32 to vector<16xi32>
      %ge3A_62 = arith.cmpi sge, %add3A_60, %ge3A_61 : vector<16xi32>
      %add3A_63 = arith.constant -2 : i32
      %add3A_64 = vector.broadcast %add3A_63 : i32 to vector<16xi32>
      %add3A_65 = arith.addi %add3A_52, %add3A_64 : vector<16xi32>
      %lt3A_66 = arith.constant 2048 : i32
      %lt3A_67 = vector.broadcast %lt3A_66 : i32 to vector<16xi32>
      %lt3A_68 = arith.cmpi slt, %add3A_65, %lt3A_67 : vector<16xi32>
      %and3A_69 = arith.andi %ge3A_62, %lt3A_68 : vector<16xi1>
      %jit3A_70 = arith.constant -1 : i32
      %broadcast_in_dim3A = vector.broadcast %jit3A_70 : i32 to vector<16xi32>
      %select_n3A_71 = arith.select %and3A_69, %get3A_57, %broadcast_in_dim3A : vector<16xi1>, vector<16xi32>
      %add3A_72 = arith.constant 8 : i32
      %add3A_73 = arith.addi %add3A_48, %add3A_72 : i32
      %add3A_74 = arith.constant -1 : i32
      %add3A_75 = arith.addi %add3A_73, %add3A_74 : i32
      %get3A_76 = arith.index_cast %add3A_75 : i32 to index
      %get3A_77 = tpu.vector_load %arg6[%get3A_76] {strides = array<i32>} : memref<1040xi32, #tpu.memory_space<vmem>>, vector<16xi32>,
      %add3A_78 = arith.constant -1 : i32
      %add3A_79 = vector.broadcast %add3A_78 : i32 to vector<16xi32>
      %add3A_80 = arith.addi %add3A_52, %add3A_79 : vector<16xi32>
      %ge3A_81 = arith.constant 0 : i32
      %ge3A_82 = vector.broadcast %ge3A_81 : i32 to vector<16xi32>
      %ge3A_83 = arith.cmpi sge, %add3A_80, %ge3A_82 : vector<16xi32>
      %add3A_84 = arith.constant -1 : i32
      %add3A_85 = vector.broadcast %add3A_84 : i32 to vector<16xi32>
      %add3A_86 = arith.addi %add3A_52, %add3A_85 : vector<16xi32>
      %lt3A_87 = arith.constant 2048 : i32
      %lt3A_88 = vector.broadcast %lt3A_87 : i32 to vector<16xi32>
      %lt3A_89 = arith.cmpi slt, %add3A_86, %lt3A_88 : vector<16xi32>
      %and3A_90 = arith.andi %ge3A_83, %lt3A_89 : vector<16xi1>
      %jit3A_91 = arith.constant -1 : i32
      %broadcast_in_dim3A_92 = vector.broadcast %jit3A_91 : i32 to vector<16xi32>
      %select_n3A_93 = arith.select %and3A_90, %get3A_77, %broadcast_in_dim3A_92 : vector<16xi1>, vector<16xi32>
      %add3A_94 = arith.constant 8 : i32
      %add3A_95 = arith.addi %add3A_48, %add3A_94 : i32
      %add3A_96 = arith.constant 0 : i32
      %add3A_97 = arith.addi %add3A_95, %add3A_96 : i32
      %get3A_98 = arith.index_cast %add3A_97 : i32 to index
      %get3A_99 = tpu.vector_load %arg6[%get3A_98] {strides = array<i32>} : memref<1040xi32, #tpu.memory_space<vmem>>, vector<16xi32>,
      %add3A_100 = arith.constant 0 : i32
      %add3A_101 = vector.broadcast %add3A_100 : i32 to vector<16xi32>
      %add3A_102 = arith.addi %add3A_52, %add3A_101 : vector<16xi32>
      %ge3A_103 = arith.constant 0 : i32
      %ge3A_104 = vector.broadcast %ge3A_103 : i32 to vector<16xi32>
      %ge3A_105 = arith.cmpi sge, %add3A_102, %ge3A_104 : vector<16xi32>
      %add3A_106 = arith.constant 0 : i32
      %add3A_107 = vector.broadcast %add3A_106 : i32 to vector<16xi32>
      %add3A_108 = arith.addi %add3A_52, %add3A_107 : vector<16xi32>
      %lt3A_109 = arith.constant 2048 : i32
      %lt3A_110 = vector.broadcast %lt3A_109 : i32 to vector<16xi32>
      %lt3A_111 = arith.cmpi slt, %add3A_108, %lt3A_110 : vector<16xi32>
      %and3A_112 = arith.andi %ge3A_105, %lt3A_111 : vector<16xi1>
      %jit3A_113 = arith.constant -1 : i32
      %broadcast_in_dim3A_114 = vector.broadcast %jit3A_113 : i32 to vector<16xi32>
      %select_n3A_115 = arith.select %and3A_112, %get3A_99, %broadcast_in_dim3A_114 : vector<16xi1>, vector<16xi32>
      %add3A_116 = arith.constant 8 : i32
      %add3A_117 = arith.addi %add3A_48, %add3A_116 : i32
      %add3A_118 = arith.constant 1 : i32
      %add3A_119 = arith.addi %add3A_117, %add3A_118 : i32
      %get3A_120 = arith.index_cast %add3A_119 : i32 to index
      %get3A_121 = tpu.vector_load %arg6[%get3A_120] {strides = array<i32>} : memref<1040xi32, #tpu.memory_space<vmem>>, vector<16xi32>,
      %add3A_122 = arith.constant 1 : i32
      %add3A_123 = vector.broadcast %add3A_122 : i32 to vector<16xi32>
      %add3A_124 = arith.addi %add3A_52, %add3A_123 : vector<16xi32>
      %ge3A_125 = arith.constant 0 : i32
      %ge3A_126 = vector.broadcast %ge3A_125 : i32 to vector<16xi32>
      %ge3A_127 = arith.cmpi sge, %add3A_124, %ge3A_126 : vector<16xi32>
      %add3A_128 = arith.constant 1 : i32
      %add3A_129 = vector.broadcast %add3A_128 : i32 to vector<16xi32>
      %add3A_130 = arith.addi %add3A_52, %add3A_129 : vector<16xi32>
      %lt3A_131 = arith.constant 2048 : i32
      %lt3A_132 = vector.broadcast %lt3A_131 : i32 to vector<16xi32>
      %lt3A_133 = arith.cmpi slt, %add3A_130, %lt3A_132 : vector<16xi32>
      %and3A_134 = arith.andi %ge3A_127, %lt3A_133 : vector<16xi1>
      %jit3A_135 = arith.constant -1 : i32
      %broadcast_in_dim3A_136 = vector.broadcast %jit3A_135 : i32 to vector<16xi32>
      %select_n3A_137 = arith.select %and3A_134, %get3A_121, %broadcast_in_dim3A_136 : vector<16xi1>, vector<16xi32>
      %add3A_138 = arith.constant 8 : i32
      %add3A_139 = arith.addi %add3A_48, %add3A_138 : i32
      %add3A_140 = arith.constant 2 : i32
      %add3A_141 = arith.addi %add3A_139, %add3A_140 : i32
      %get3A_142 = arith.index_cast %add3A_141 : i32 to index
      %get3A_143 = tpu.vector_load %arg6[%get3A_142] {strides = array<i32>} : memref<1040xi32, #tpu.memory_space<vmem>>, vector<16xi32>,
      %add3A_144 = arith.constant 2 : i32
      %add3A_145 = vector.broadcast %add3A_144 : i32 to vector<16xi32>
      %add3A_146 = arith.addi %add3A_52, %add3A_145 : vector<16xi32>
      %ge3A_147 = arith.constant 0 : i32
      %ge3A_148 = vector.broadcast %ge3A_147 : i32 to vector<16xi32>
      %ge3A_149 = arith.cmpi sge, %add3A_146, %ge3A_148 : vector<16xi32>
      %add3A_150 = arith.constant 2 : i32
      %add3A_151 = vector.broadcast %add3A_150 : i32 to vector<16xi32>
      %add3A_152 = arith.addi %add3A_52, %add3A_151 : vector<16xi32>
      %lt3A_153 = arith.constant 2048 : i32
      %lt3A_154 = vector.broadcast %lt3A_153 : i32 to vector<16xi32>
      %lt3A_155 = arith.cmpi slt, %add3A_152, %lt3A_154 : vector<16xi32>
      %and3A_156 = arith.andi %ge3A_149, %lt3A_155 : vector<16xi1>
      %jit3A_157 = arith.constant -1 : i32
      %broadcast_in_dim3A_158 = vector.broadcast %jit3A_157 : i32 to vector<16xi32>
      %select_n3A_159 = arith.select %and3A_156, %get3A_143, %broadcast_in_dim3A_158 : vector<16xi1>, vector<16xi32>
      %broadcast_in_dim3A_160 = arith.constant 0.000000e+00 : f32
      %broadcast_in_dim3A_161 = vector.broadcast %broadcast_in_dim3A_160 : f32 to vector<16xf32>
      %broadcast_in_dim3A_162 = arith.constant 0.000000e+00 : f32
      %broadcast_in_dim3A_163 = vector.broadcast %broadcast_in_dim3A_162 : f32 to vector<16xf32>
      %ge3A_164 = arith.constant 0 : i32
      %ge3A_165 = vector.broadcast %ge3A_164 : i32 to vector<16xi32>
      %ge3A_166 = arith.cmpi sge, %select_n3A_71, %ge3A_165 : vector<16xi32>
      %lt3A_167 = arith.constant 16 : i32
      %lt3A_168 = vector.broadcast %lt3A_167 : i32 to vector<16xi32>
      %lt3A_169 = arith.cmpi slt, %select_n3A_71, %lt3A_168 : vector<16xi32>
      %and3A_170 = arith.andi %ge3A_166, %lt3A_169 : vector<16xi1>
      %and3A_171 = arith.constant 1 : i32
      %and3A_172 = vector.broadcast %and3A_171 : i32 to vector<16xi32>
      %and3A_173 = arith.andi %select_n3A_71, %and3A_172 : vector<16xi32>
      %eq3A_174 = arith.constant 1 : i32
      %eq3A_175 = vector.broadcast %eq3A_174 : i32 to vector<16xi32>
      %eq3A_176 = arith.cmpi eq, %and3A_173, %eq3A_175 : vector<16xi32>
      %and3A_177 = arith.andi %and3A_170, %eq3A_176 : vector<16xi1>
      %ne3A_178 = arith.cmpi ne, %select_n3A_93, %select_n3A_71 : vector<16xi32>
      %and3A_179 = arith.andi %and3A_177, %ne3A_178 : vector<16xi1>
      %ne3A_180 = arith.cmpi ne, %select_n3A_115, %select_n3A_71 : vector<16xi32>
      %and3A_181 = arith.andi %and3A_179, %ne3A_180 : vector<16xi1>
      %ne3A_182 = arith.cmpi ne, %select_n3A_137, %select_n3A_71 : vector<16xi32>
      %and3A_183 = arith.andi %and3A_181, %ne3A_182 : vector<16xi1>
      %ne3A_184 = arith.cmpi ne, %select_n3A_159, %select_n3A_71 : vector<16xi32>
      %and3A_185 = arith.andi %and3A_183, %ne3A_184 : vector<16xi1>
      %add3A_186 = arith.constant -2 : i32
      %add3A_187 = vector.broadcast %add3A_186 : i32 to vector<16xi32>
      %add3A_188 = arith.addi %add3A_52, %add3A_187 : vector<16xi32>
      %broadcast_in_dim3A_189 = arith.constant 2.500000e-02 : f32
      %broadcast_in_dim3A_190 = vector.broadcast %broadcast_in_dim3A_189 : f32 to vector<16xf32>
      %eq3A_191 = arith.constant 1 : i32
      %eq3A_192 = vector.broadcast %eq3A_191 : i32 to vector<16xi32>
      %eq3A_193 = arith.cmpi eq, %add3A_188, %eq3A_192 : vector<16xi32>
      %eq3A_194 = arith.constant 2046 : i32
      %eq3A_195 = vector.broadcast %eq3A_194 : i32 to vector<16xi32>
      %eq3A_196 = arith.cmpi eq, %add3A_188, %eq3A_195 : vector<16xi32>
      %or3A = arith.ori %eq3A_193, %eq3A_196 : vector<16xi1>
      %jit3A_197 = arith.constant 0.0333333351 : f32
      %broadcast_in_dim3A_198 = vector.broadcast %jit3A_197 : f32 to vector<16xf32>
      %select_n3A_199 = arith.select %or3A, %broadcast_in_dim3A_198, %broadcast_in_dim3A_190 : vector<16xi1>, vector<16xf32>
      %eq3A_200 = arith.constant 0 : i32
      %eq3A_201 = vector.broadcast %eq3A_200 : i32 to vector<16xi32>
      %eq3A_202 = arith.cmpi eq, %add3A_188, %eq3A_201 : vector<16xi32>
      %eq3A_203 = arith.constant 2047 : i32
      %eq3A_204 = vector.broadcast %eq3A_203 : i32 to vector<16xi32>
      %eq3A_205 = arith.cmpi eq, %add3A_188, %eq3A_204 : vector<16xi32>
      %or3A_206 = arith.ori %eq3A_202, %eq3A_205 : vector<16xi1>
      %jit3A_207 = arith.constant 5.000000e-02 : f32
      %broadcast_in_dim3A_208 = vector.broadcast %jit3A_207 : f32 to vector<16xf32>
      %select_n3A_209 = arith.select %or3A_206, %broadcast_in_dim3A_208, %select_n3A_199 : vector<16xi1>, vector<16xf32>
      %jit3A_210 = arith.constant 0.000000e+00 : f32
      %broadcast_in_dim3A_211 = vector.broadcast %jit3A_210 : f32 to vector<16xf32>
      %select_n3A_212 = arith.select %and3A_185, %select_n3A_209, %broadcast_in_dim3A_211 : vector<16xi1>, vector<16xf32>
      %mul3A_213 = arith.constant 16 : i32
      %mul3A_214 = arith.muli %scan3A_44, %mul3A_213 : i32
      %add3A_215 = vector.broadcast %mul3A_214 : i32 to vector<16xi32>
      %add3A_216 = arith.addi %add3A_215, %iota3A : vector<16xi32>
      %jit3A_217 = arith.constant 0 : i32
      %broadcast_in_dim3A_218 = vector.broadcast %jit3A_217 : i32 to vector<16xi32>
      %select_n3A_219 = arith.select %and3A_185, %select_n3A_71, %broadcast_in_dim3A_218 : vector<16xi1>, vector<16xi32>
      %gather3A = tpu.vector_load_idx %arg7[%add3A_216, %select_n3A_219] : memref<512x128xf32, #tpu.memory_space<vmem>>[vector<16xi32>, vector<16xi32>], vector<16xf32>,
      %mul3A_220 = arith.mulf %select_n3A_212, %gather3A : vector<16xf32>
      %add3A_221 = arith.addf %broadcast_in_dim3A_161, %mul3A_220 : vector<16xf32>
      %add3A_222 = arith.addf %broadcast_in_dim3A_163, %select_n3A_212 : vector<16xf32>
      %ge3A_223 = arith.constant 0 : i32
      %ge3A_224 = vector.broadcast %ge3A_223 : i32 to vector<16xi32>
      %ge3A_225 = arith.cmpi sge, %select_n3A_93, %ge3A_224 : vector<16xi32>
      %lt3A_226 = arith.constant 16 : i32
      %lt3A_227 = vector.broadcast %lt3A_226 : i32 to vector<16xi32>
      %lt3A_228 = arith.cmpi slt, %select_n3A_93, %lt3A_227 : vector<16xi32>
      %and3A_229 = arith.andi %ge3A_225, %lt3A_228 : vector<16xi1>
      %and3A_230 = arith.constant 1 : i32
      %and3A_231 = vector.broadcast %and3A_230 : i32 to vector<16xi32>
      %and3A_232 = arith.andi %select_n3A_93, %and3A_231 : vector<16xi32>
      %eq3A_233 = arith.constant 1 : i32
      %eq3A_234 = vector.broadcast %eq3A_233 : i32 to vector<16xi32>
      %eq3A_235 = arith.cmpi eq, %and3A_232, %eq3A_234 : vector<16xi32>
      %and3A_236 = arith.andi %and3A_229, %eq3A_235 : vector<16xi1>
      %ne3A_237 = arith.cmpi ne, %select_n3A_115, %select_n3A_93 : vector<16xi32>
      %and3A_238 = arith.andi %and3A_236, %ne3A_237 : vector<16xi1>
      %ne3A_239 = arith.cmpi ne, %select_n3A_137, %select_n3A_93 : vector<16xi32>
      %and3A_240 = arith.andi %and3A_238, %ne3A_239 : vector<16xi1>
      %ne3A_241 = arith.cmpi ne, %select_n3A_159, %select_n3A_93 : vector<16xi32>
      %and3A_242 = arith.andi %and3A_240, %ne3A_241 : vector<16xi1>
      %add3A_243 = arith.constant -1 : i32
      %add3A_244 = vector.broadcast %add3A_243 : i32 to vector<16xi32>
      %add3A_245 = arith.addi %add3A_52, %add3A_244 : vector<16xi32>
      %broadcast_in_dim3A_246 = arith.constant 2.500000e-02 : f32
      %broadcast_in_dim3A_247 = vector.broadcast %broadcast_in_dim3A_246 : f32 to vector<16xf32>
      %eq3A_248 = arith.constant 1 : i32
      %eq3A_249 = vector.broadcast %eq3A_248 : i32 to vector<16xi32>
      %eq3A_250 = arith.cmpi eq, %add3A_245, %eq3A_249 : vector<16xi32>
      %eq3A_251 = arith.constant 2046 : i32
      %eq3A_252 = vector.broadcast %eq3A_251 : i32 to vector<16xi32>
      %eq3A_253 = arith.cmpi eq, %add3A_245, %eq3A_252 : vector<16xi32>
      %or3A_254 = arith.ori %eq3A_250, %eq3A_253 : vector<16xi1>
      %jit3A_255 = arith.constant 0.0333333351 : f32
      %broadcast_in_dim3A_256 = vector.broadcast %jit3A_255 : f32 to vector<16xf32>
      %select_n3A_257 = arith.select %or3A_254, %broadcast_in_dim3A_256, %broadcast_in_dim3A_247 : vector<16xi1>, vector<16xf32>
      %eq3A_258 = arith.constant 0 : i32
      %eq3A_259 = vector.broadcast %eq3A_258 : i32 to vector<16xi32>
      %eq3A_260 = arith.cmpi eq, %add3A_245, %eq3A_259 : vector<16xi32>
      %eq3A_261 = arith.constant 2047 : i32
      %eq3A_262 = vector.broadcast %eq3A_261 : i32 to vector<16xi32>
      %eq3A_263 = arith.cmpi eq, %add3A_245, %eq3A_262 : vector<16xi32>
      %or3A_264 = arith.ori %eq3A_260, %eq3A_263 : vector<16xi1>
      %jit3A_265 = arith.constant 5.000000e-02 : f32
      %broadcast_in_dim3A_266 = vector.broadcast %jit3A_265 : f32 to vector<16xf32>
      %select_n3A_267 = arith.select %or3A_264, %broadcast_in_dim3A_266, %select_n3A_257 : vector<16xi1>, vector<16xf32>
      %jit3A_268 = arith.constant 0.000000e+00 : f32
      %broadcast_in_dim3A_269 = vector.broadcast %jit3A_268 : f32 to vector<16xf32>
      %select_n3A_270 = arith.select %and3A_242, %select_n3A_267, %broadcast_in_dim3A_269 : vector<16xi1>, vector<16xf32>
      %mul3A_271 = arith.constant 16 : i32
      %mul3A_272 = arith.muli %scan3A_44, %mul3A_271 : i32
      %add3A_273 = vector.broadcast %mul3A_272 : i32 to vector<16xi32>
      %add3A_274 = arith.addi %add3A_273, %iota3A : vector<16xi32>
      %jit3A_275 = arith.constant 0 : i32
      %broadcast_in_dim3A_276 = vector.broadcast %jit3A_275 : i32 to vector<16xi32>
      %select_n3A_277 = arith.select %and3A_242, %select_n3A_93, %broadcast_in_dim3A_276 : vector<16xi1>, vector<16xi32>
      %gather3A_278 = tpu.vector_load_idx %arg7[%add3A_274, %select_n3A_277] : memref<512x128xf32, #tpu.memory_space<vmem>>[vector<16xi32>, vector<16xi32>], vector<16xf32>,
      %mul3A_279 = arith.mulf %select_n3A_270, %gather3A_278 : vector<16xf32>
      %add3A_280 = arith.addf %add3A_221, %mul3A_279 : vector<16xf32>
      %add3A_281 = arith.addf %add3A_222, %select_n3A_270 : vector<16xf32>
      %ge3A_282 = arith.constant 0 : i32
      %ge3A_283 = vector.broadcast %ge3A_282 : i32 to vector<16xi32>
      %ge3A_284 = arith.cmpi sge, %select_n3A_115, %ge3A_283 : vector<16xi32>
      %lt3A_285 = arith.constant 16 : i32
      %lt3A_286 = vector.broadcast %lt3A_285 : i32 to vector<16xi32>
      %lt3A_287 = arith.cmpi slt, %select_n3A_115, %lt3A_286 : vector<16xi32>
      %and3A_288 = arith.andi %ge3A_284, %lt3A_287 : vector<16xi1>
      %and3A_289 = arith.constant 1 : i32
      %and3A_290 = vector.broadcast %and3A_289 : i32 to vector<16xi32>
      %and3A_291 = arith.andi %select_n3A_115, %and3A_290 : vector<16xi32>
      %eq3A_292 = arith.constant 1 : i32
      %eq3A_293 = vector.broadcast %eq3A_292 : i32 to vector<16xi32>
      %eq3A_294 = arith.cmpi eq, %and3A_291, %eq3A_293 : vector<16xi32>
      %and3A_295 = arith.andi %and3A_288, %eq3A_294 : vector<16xi1>
      %ne3A_296 = arith.cmpi ne, %select_n3A_137, %select_n3A_115 : vector<16xi32>
      %and3A_297 = arith.andi %and3A_295, %ne3A_296 : vector<16xi1>
      %ne3A_298 = arith.cmpi ne, %select_n3A_159, %select_n3A_115 : vector<16xi32>
      %and3A_299 = arith.andi %and3A_297, %ne3A_298 : vector<16xi1>
      %broadcast_in_dim3A_300 = arith.constant 0.899999976 : f32
      %broadcast_in_dim3A_301 = vector.broadcast %broadcast_in_dim3A_300 : f32 to vector<16xf32>
      %jit3A_302 = arith.constant 0.000000e+00 : f32
      %broadcast_in_dim3A_303 = vector.broadcast %jit3A_302 : f32 to vector<16xf32>
      %select_n3A_304 = arith.select %and3A_299, %broadcast_in_dim3A_301, %broadcast_in_dim3A_303 : vector<16xi1>, vector<16xf32>
      %mul3A_305 = arith.constant 16 : i32
      %mul3A_306 = arith.muli %scan3A_44, %mul3A_305 : i32
      %add3A_307 = vector.broadcast %mul3A_306 : i32 to vector<16xi32>
      %add3A_308 = arith.addi %add3A_307, %iota3A : vector<16xi32>
      %jit3A_309 = arith.constant 0 : i32
      %broadcast_in_dim3A_310 = vector.broadcast %jit3A_309 : i32 to vector<16xi32>
      %select_n3A_311 = arith.select %and3A_299, %select_n3A_115, %broadcast_in_dim3A_310 : vector<16xi1>, vector<16xi32>
      %gather3A_312 = tpu.vector_load_idx %arg7[%add3A_308, %select_n3A_311] : memref<512x128xf32, #tpu.memory_space<vmem>>[vector<16xi32>, vector<16xi32>], vector<16xf32>,
      %mul3A_313 = arith.mulf %select_n3A_304, %gather3A_312 : vector<16xf32>
      %add3A_314 = arith.addf %add3A_280, %mul3A_313 : vector<16xf32>
      %add3A_315 = arith.addf %add3A_281, %select_n3A_304 : vector<16xf32>
      %ge3A_316 = arith.constant 0 : i32
      %ge3A_317 = vector.broadcast %ge3A_316 : i32 to vector<16xi32>
      %ge3A_318 = arith.cmpi sge, %select_n3A_137, %ge3A_317 : vector<16xi32>
      %lt3A_319 = arith.constant 16 : i32
      %lt3A_320 = vector.broadcast %lt3A_319 : i32 to vector<16xi32>
      %lt3A_321 = arith.cmpi slt, %select_n3A_137, %lt3A_320 : vector<16xi32>
      %and3A_322 = arith.andi %ge3A_318, %lt3A_321 : vector<16xi1>
      %and3A_323 = arith.constant 1 : i32
      %and3A_324 = vector.broadcast %and3A_323 : i32 to vector<16xi32>
      %and3A_325 = arith.andi %select_n3A_137, %and3A_324 : vector<16xi32>
      %eq3A_326 = arith.constant 1 : i32
      %eq3A_327 = vector.broadcast %eq3A_326 : i32 to vector<16xi32>
      %eq3A_328 = arith.cmpi eq, %and3A_325, %eq3A_327 : vector<16xi32>
      %and3A_329 = arith.andi %and3A_322, %eq3A_328 : vector<16xi1>
      %ne3A_330 = arith.cmpi ne, %select_n3A_159, %select_n3A_137 : vector<16xi32>
      %and3A_331 = arith.andi %and3A_329, %ne3A_330 : vector<16xi1>
      %add3A_332 = arith.constant 1 : i32
      %add3A_333 = vector.broadcast %add3A_332 : i32 to vector<16xi32>
      %add3A_334 = arith.addi %add3A_52, %add3A_333 : vector<16xi32>
      %broadcast_in_dim3A_335 = arith.constant 2.500000e-02 : f32
      %broadcast_in_dim3A_336 = vector.broadcast %broadcast_in_dim3A_335 : f32 to vector<16xf32>
      %eq3A_337 = arith.constant 1 : i32
      %eq3A_338 = vector.broadcast %eq3A_337 : i32 to vector<16xi32>
      %eq3A_339 = arith.cmpi eq, %add3A_334, %eq3A_338 : vector<16xi32>
      %eq3A_340 = arith.constant 2046 : i32
      %eq3A_341 = vector.broadcast %eq3A_340 : i32 to vector<16xi32>
      %eq3A_342 = arith.cmpi eq, %add3A_334, %eq3A_341 : vector<16xi32>
      %or3A_343 = arith.ori %eq3A_339, %eq3A_342 : vector<16xi1>
      %jit3A_344 = arith.constant 0.0333333351 : f32
      %broadcast_in_dim3A_345 = vector.broadcast %jit3A_344 : f32 to vector<16xf32>
      %select_n3A_346 = arith.select %or3A_343, %broadcast_in_dim3A_345, %broadcast_in_dim3A_336 : vector<16xi1>, vector<16xf32>
      %eq3A_347 = arith.constant 0 : i32
      %eq3A_348 = vector.broadcast %eq3A_347 : i32 to vector<16xi32>
      %eq3A_349 = arith.cmpi eq, %add3A_334, %eq3A_348 : vector<16xi32>
      %eq3A_350 = arith.constant 2047 : i32
      %eq3A_351 = vector.broadcast %eq3A_350 : i32 to vector<16xi32>
      %eq3A_352 = arith.cmpi eq, %add3A_334, %eq3A_351 : vector<16xi32>
      %or3A_353 = arith.ori %eq3A_349, %eq3A_352 : vector<16xi1>
      %jit3A_354 = arith.constant 5.000000e-02 : f32
      %broadcast_in_dim3A_355 = vector.broadcast %jit3A_354 : f32 to vector<16xf32>
      %select_n3A_356 = arith.select %or3A_353, %broadcast_in_dim3A_355, %select_n3A_346 : vector<16xi1>, vector<16xf32>
      %jit3A_357 = arith.constant 0.000000e+00 : f32
      %broadcast_in_dim3A_358 = vector.broadcast %jit3A_357 : f32 to vector<16xf32>
      %select_n3A_359 = arith.select %and3A_331, %select_n3A_356, %broadcast_in_dim3A_358 : vector<16xi1>, vector<16xf32>
      %mul3A_360 = arith.constant 16 : i32
      %mul3A_361 = arith.muli %scan3A_44, %mul3A_360 : i32
      %add3A_362 = vector.broadcast %mul3A_361 : i32 to vector<16xi32>
      %add3A_363 = arith.addi %add3A_362, %iota3A : vector<16xi32>
      %jit3A_364 = arith.constant 0 : i32
      %broadcast_in_dim3A_365 = vector.broadcast %jit3A_364 : i32 to vector<16xi32>
      %select_n3A_366 = arith.select %and3A_331, %select_n3A_137, %broadcast_in_dim3A_365 : vector<16xi1>, vector<16xi32>
      %gather3A_367 = tpu.vector_load_idx %arg7[%add3A_363, %select_n3A_366] : memref<512x128xf32, #tpu.memory_space<vmem>>[vector<16xi32>, vector<16xi32>], vector<16xf32>,
      %mul3A_368 = arith.mulf %select_n3A_359, %gather3A_367 : vector<16xf32>
      %add3A_369 = arith.addf %add3A_314, %mul3A_368 : vector<16xf32>
      %add3A_370 = arith.addf %add3A_315, %select_n3A_359 : vector<16xf32>
      %ge3A_371 = arith.constant 0 : i32
      %ge3A_372 = vector.broadcast %ge3A_371 : i32 to vector<16xi32>
      %ge3A_373 = arith.cmpi sge, %select_n3A_159, %ge3A_372 : vector<16xi32>
      %lt3A_374 = arith.constant 16 : i32
      %lt3A_375 = vector.broadcast %lt3A_374 : i32 to vector<16xi32>
      %lt3A_376 = arith.cmpi slt, %select_n3A_159, %lt3A_375 : vector<16xi32>
      %and3A_377 = arith.andi %ge3A_373, %lt3A_376 : vector<16xi1>
      %and3A_378 = arith.constant 1 : i32
      %and3A_379 = vector.broadcast %and3A_378 : i32 to vector<16xi32>
      %and3A_380 = arith.andi %select_n3A_159, %and3A_379 : vector<16xi32>
      %eq3A_381 = arith.constant 1 : i32
      %eq3A_382 = vector.broadcast %eq3A_381 : i32 to vector<16xi32>
      %eq3A_383 = arith.cmpi eq, %and3A_380, %eq3A_382 : vector<16xi32>
      %and3A_384 = arith.andi %and3A_377, %eq3A_383 : vector<16xi1>
      %add3A_385 = arith.constant 2 : i32
      %add3A_386 = vector.broadcast %add3A_385 : i32 to vector<16xi32>
      %add3A_387 = arith.addi %add3A_52, %add3A_386 : vector<16xi32>
      %broadcast_in_dim3A_388 = arith.constant 2.500000e-02 : f32
      %broadcast_in_dim3A_389 = vector.broadcast %broadcast_in_dim3A_388 : f32 to vector<16xf32>
      %eq3A_390 = arith.constant 1 : i32
      %eq3A_391 = vector.broadcast %eq3A_390 : i32 to vector<16xi32>
      %eq3A_392 = arith.cmpi eq, %add3A_387, %eq3A_391 : vector<16xi32>
      %eq3A_393 = arith.constant 2046 : i32
      %eq3A_394 = vector.broadcast %eq3A_393 : i32 to vector<16xi32>
      %eq3A_395 = arith.cmpi eq, %add3A_387, %eq3A_394 : vector<16xi32>
      %or3A_396 = arith.ori %eq3A_392, %eq3A_395 : vector<16xi1>
      %jit3A_397 = arith.constant 0.0333333351 : f32
      %broadcast_in_dim3A_398 = vector.broadcast %jit3A_397 : f32 to vector<16xf32>
      %select_n3A_399 = arith.select %or3A_396, %broadcast_in_dim3A_398, %broadcast_in_dim3A_389 : vector<16xi1>, vector<16xf32>
      %eq3A_400 = arith.constant 0 : i32
      %eq3A_401 = vector.broadcast %eq3A_400 : i32 to vector<16xi32>
      %eq3A_402 = arith.cmpi eq, %add3A_387, %eq3A_401 : vector<16xi32>
      %eq3A_403 = arith.constant 2047 : i32
      %eq3A_404 = vector.broadcast %eq3A_403 : i32 to vector<16xi32>
      %eq3A_405 = arith.cmpi eq, %add3A_387, %eq3A_404 : vector<16xi32>
      %or3A_406 = arith.ori %eq3A_402, %eq3A_405 : vector<16xi1>
      %jit3A_407 = arith.constant 5.000000e-02 : f32
      %broadcast_in_dim3A_408 = vector.broadcast %jit3A_407 : f32 to vector<16xf32>
      %select_n3A_409 = arith.select %or3A_406, %broadcast_in_dim3A_408, %select_n3A_399 : vector<16xi1>, vector<16xf32>
      %jit3A_410 = arith.constant 0.000000e+00 : f32
      %broadcast_in_dim3A_411 = vector.broadcast %jit3A_410 : f32 to vector<16xf32>
      %select_n3A_412 = arith.select %and3A_384, %select_n3A_409, %broadcast_in_dim3A_411 : vector<16xi1>, vector<16xf32>
      %mul3A_413 = arith.constant 16 : i32
      %mul3A_414 = arith.muli %scan3A_44, %mul3A_413 : i32
      %add3A_415 = vector.broadcast %mul3A_414 : i32 to vector<16xi32>
      %add3A_416 = arith.addi %add3A_415, %iota3A : vector<16xi32>
      %jit3A_417 = arith.constant 0 : i32
      %broadcast_in_dim3A_418 = vector.broadcast %jit3A_417 : i32 to vector<16xi32>
      %select_n3A_419 = arith.select %and3A_384, %select_n3A_159, %broadcast_in_dim3A_418 : vector<16xi1>, vector<16xi32>
      %gather3A_420 = tpu.vector_load_idx %arg7[%add3A_416, %select_n3A_419] : memref<512x128xf32, #tpu.memory_space<vmem>>[vector<16xi32>, vector<16xi32>], vector<16xf32>,
      %mul3A_421 = arith.mulf %select_n3A_412, %gather3A_420 : vector<16xf32>
      %add3A_422 = arith.addf %add3A_369, %mul3A_421 : vector<16xf32>
      %add3A_423 = arith.addf %add3A_370, %select_n3A_412 : vector<16xf32>
      %lt3A_424 = arith.constant 16 : i32
      %lt3A_425 = vector.broadcast %lt3A_424 : i32 to vector<16xi32>
      %lt3A_426 = arith.cmpi slt, %select_n3A_115, %lt3A_425 : vector<16xi32>
      %and3A_427 = arith.constant 1 : i32
      %and3A_428 = vector.broadcast %and3A_427 : i32 to vector<16xi32>
      %and3A_429 = arith.andi %select_n3A_115, %and3A_428 : vector<16xi32>
      %eq3A_430 = arith.constant 1 : i32
      %eq3A_431 = vector.broadcast %eq3A_430 : i32 to vector<16xi32>
      %eq3A_432 = arith.cmpi eq, %and3A_429, %eq3A_431 : vector<16xi32>
      %and3A_433 = arith.andi %lt3A_426, %eq3A_432 : vector<16xi1>
      %jit3A_434 = arith.constant 0.000000e+00 : f32
      %jit3A_435 = arith.constant 1.000000e+00 : f32
      %broadcast_in_dim3A_436 = vector.broadcast %jit3A_434 : f32 to vector<16xf32>
      %broadcast_in_dim3A_437 = vector.broadcast %jit3A_435 : f32 to vector<16xf32>
      %select_n3A_438 = arith.select %and3A_433, %broadcast_in_dim3A_436, %broadcast_in_dim3A_437 : vector<16xi1>, vector<16xf32>
      %add3A_439 = arith.addf %add3A_423, %select_n3A_438 : vector<16xf32>
      %swap3A = arith.index_cast %add3A_48 : i32 to index
      %swap3A_440 = tpu.vector_load %arg8[%swap3A] {strides = array<i32>} : memref<1024xf32, #tpu.memory_space<vmem>>, vector<16xf32>,
      tpu.vector_store %arg8[%swap3A], %add3A_422 {strides = array<i32>} : memref<1024xf32, #tpu.memory_space<vmem>>, vector<16xf32>,
      %swap3A_441 = arith.index_cast %add3A_48 : i32 to index
      %swap3A_442 = tpu.vector_load %arg9[%swap3A_441] {strides = array<i32>} : memref<1024xf32, #tpu.memory_space<vmem>>, vector<16xf32>,
      tpu.vector_store %arg9[%swap3A_441], %add3A_439 {strides = array<i32>} : memref<1024xf32, #tpu.memory_space<vmem>>, vector<16xf32>,
    }
    %scan3A_35 = arith.constant 32 : i32
    %add3A_36 = arith.constant 512 : i32
    %add3A_37 = arith.addi %mul3A_2, %add3A_36 : i32
    "tpu.region"() ({
      %run_scoped3A = tpu.sem_alloc : memref<!tpu.dma_semaphore, #tpu.memory_space<semaphore_mem>>
      %dma_start3A = arith.constant 0 : i32
      %dma_start3A_44 = tpu.memref_slice %arg3[%add3A_37, %dma_start3A] : memref<32768x512xf32, #tpu.memory_space<hbm>> -> memref<512x128xf32, #tpu.memory_space<hbm>>
      %dma_start3A_45 = arith.constant 0 : i32
      %dma_start3A_46 = tpu.memref_slice %arg3[%add3A_37, %dma_start3A_45] : memref<32768x512xf32, #tpu.memory_space<hbm>> -> memref<512x128xf32, #tpu.memory_space<hbm>>
      tpu.enqueue_dma source(%dma_start3A_46 : memref<512x128xf32, #tpu.memory_space<hbm>>) target(%arg7 : memref<512x128xf32, #tpu.memory_space<vmem>>) target_semaphore(%run_scoped3A : memref<!tpu.dma_semaphore, #tpu.memory_space<semaphore_mem>>)
      %dma_wait3A = arith.constant 0 : i32
      %dma_wait3A_47 = tpu.memref_slice %arg3[%add3A_37, %dma_wait3A] : memref<32768x512xf32, #tpu.memory_space<hbm>> -> memref<512x128xf32, #tpu.memory_space<hbm>>
      %dma_wait3A_48 = arith.constant 0 : i32
      %dma_wait3A_49 = tpu.memref_slice %arg3[%add3A_37, %dma_wait3A_48] : memref<32768x512xf32, #tpu.memory_space<hbm>> -> memref<512x128xf32, #tpu.memory_space<hbm>>
      tpu.wait_dma2 semaphore(%run_scoped3A : memref<!tpu.dma_semaphore, #tpu.memory_space<semaphore_mem>>) src(%dma_wait3A_49 : memref<512x128xf32, #tpu.memory_space<hbm>>) dst(%arg7 : memref<512x128xf32, #tpu.memory_space<vmem>>)
      tpu.yield
    }) : () -> ()
    %scan3A_38 = arith.constant 0 : i32
    %scan3A_39 = arith.constant 0 : i32
    %scan3A_40 = arith.constant 32 : i32
    %scan3A_41 = arith.addi %scan3A_39, %scan3A_40 : i32
    %scan3A_42 = arith.constant 1 : i32
    scf.for %scan3A_44 = %scan3A_39 to %scan3A_41 step %scan3A_42  : i32 {
      %mul3A_45 = arith.constant 16 : i32
      %mul3A_46 = arith.muli %scan3A_44, %mul3A_45 : i32
      %add3A_47 = arith.constant 512 : i32
      %add3A_48 = arith.addi %add3A_47, %mul3A_46 : i32
      %iota3A = tpu.iota {dimensions = array<i32: 0>} : vector<16xi32>
      %add3A_49 = vector.broadcast %add3A_48 : i32 to vector<16xi32>
      %add3A_50 = arith.addi %add3A_49, %iota3A : vector<16xi32>
      %add3A_51 = vector.broadcast %mul3A_28 : i32 to vector<16xi32>
      %add3A_52 = arith.addi %add3A_51, %add3A_50 : vector<16xi32>
      %add3A_53 = arith.constant 8 : i32
      %add3A_54 = arith.addi %add3A_48, %add3A_53 : i32
      %add3A_55 = arith.constant -2 : i32
      %add3A_56 = arith.addi %add3A_54, %add3A_55 : i32
      %get3A = arith.index_cast %add3A_56 : i32 to index
      %get3A_57 = tpu.vector_load %arg6[%get3A] {strides = array<i32>} : memref<1040xi32, #tpu.memory_space<vmem>>, vector<16xi32>,
      %add3A_58 = arith.constant -2 : i32
      %add3A_59 = vector.broadcast %add3A_58 : i32 to vector<16xi32>
      %add3A_60 = arith.addi %add3A_52, %add3A_59 : vector<16xi32>
      %ge3A = arith.constant 0 : i32
      %ge3A_61 = vector.broadcast %ge3A : i32 to vector<16xi32>
      %ge3A_62 = arith.cmpi sge, %add3A_60, %ge3A_61 : vector<16xi32>
      %add3A_63 = arith.constant -2 : i32
      %add3A_64 = vector.broadcast %add3A_63 : i32 to vector<16xi32>
      %add3A_65 = arith.addi %add3A_52, %add3A_64 : vector<16xi32>
      %lt3A_66 = arith.constant 2048 : i32
      %lt3A_67 = vector.broadcast %lt3A_66 : i32 to vector<16xi32>
      %lt3A_68 = arith.cmpi slt, %add3A_65, %lt3A_67 : vector<16xi32>
      %and3A_69 = arith.andi %ge3A_62, %lt3A_68 : vector<16xi1>
      %jit3A_70 = arith.constant -1 : i32
      %broadcast_in_dim3A = vector.broadcast %jit3A_70 : i32 to vector<16xi32>
      %select_n3A_71 = arith.select %and3A_69, %get3A_57, %broadcast_in_dim3A : vector<16xi1>, vector<16xi32>
      %add3A_72 = arith.constant 8 : i32
      %add3A_73 = arith.addi %add3A_48, %add3A_72 : i32
      %add3A_74 = arith.constant -1 : i32
      %add3A_75 = arith.addi %add3A_73, %add3A_74 : i32
      %get3A_76 = arith.index_cast %add3A_75 : i32 to index
      %get3A_77 = tpu.vector_load %arg6[%get3A_76] {strides = array<i32>} : memref<1040xi32, #tpu.memory_space<vmem>>, vector<16xi32>,
      %add3A_78 = arith.constant -1 : i32
      %add3A_79 = vector.broadcast %add3A_78 : i32 to vector<16xi32>
      %add3A_80 = arith.addi %add3A_52, %add3A_79 : vector<16xi32>
      %ge3A_81 = arith.constant 0 : i32
      %ge3A_82 = vector.broadcast %ge3A_81 : i32 to vector<16xi32>
      %ge3A_83 = arith.cmpi sge, %add3A_80, %ge3A_82 : vector<16xi32>
      %add3A_84 = arith.constant -1 : i32
      %add3A_85 = vector.broadcast %add3A_84 : i32 to vector<16xi32>
      %add3A_86 = arith.addi %add3A_52, %add3A_85 : vector<16xi32>
      %lt3A_87 = arith.constant 2048 : i32
      %lt3A_88 = vector.broadcast %lt3A_87 : i32 to vector<16xi32>
      %lt3A_89 = arith.cmpi slt, %add3A_86, %lt3A_88 : vector<16xi32>
      %and3A_90 = arith.andi %ge3A_83, %lt3A_89 : vector<16xi1>
      %jit3A_91 = arith.constant -1 : i32
      %broadcast_in_dim3A_92 = vector.broadcast %jit3A_91 : i32 to vector<16xi32>
      %select_n3A_93 = arith.select %and3A_90, %get3A_77, %broadcast_in_dim3A_92 : vector<16xi1>, vector<16xi32>
      %add3A_94 = arith.constant 8 : i32
      %add3A_95 = arith.addi %add3A_48, %add3A_94 : i32
      %add3A_96 = arith.constant 0 : i32
      %add3A_97 = arith.addi %add3A_95, %add3A_96 : i32
      %get3A_98 = arith.index_cast %add3A_97 : i32 to index
      %get3A_99 = tpu.vector_load %arg6[%get3A_98] {strides = array<i32>} : memref<1040xi32, #tpu.memory_space<vmem>>, vector<16xi32>,
      %add3A_100 = arith.constant 0 : i32
      %add3A_101 = vector.broadcast %add3A_100 : i32 to vector<16xi32>
      %add3A_102 = arith.addi %add3A_52, %add3A_101 : vector<16xi32>
      %ge3A_103 = arith.constant 0 : i32
      %ge3A_104 = vector.broadcast %ge3A_103 : i32 to vector<16xi32>
      %ge3A_105 = arith.cmpi sge, %add3A_102, %ge3A_104 : vector<16xi32>
      %add3A_106 = arith.constant 0 : i32
      %add3A_107 = vector.broadcast %add3A_106 : i32 to vector<16xi32>
      %add3A_108 = arith.addi %add3A_52, %add3A_107 : vector<16xi32>
      %lt3A_109 = arith.constant 2048 : i32
      %lt3A_110 = vector.broadcast %lt3A_109 : i32 to vector<16xi32>
      %lt3A_111 = arith.cmpi slt, %add3A_108, %lt3A_110 : vector<16xi32>
      %and3A_112 = arith.andi %ge3A_105, %lt3A_111 : vector<16xi1>
      %jit3A_113 = arith.constant -1 : i32
      %broadcast_in_dim3A_114 = vector.broadcast %jit3A_113 : i32 to vector<16xi32>
      %select_n3A_115 = arith.select %and3A_112, %get3A_99, %broadcast_in_dim3A_114 : vector<16xi1>, vector<16xi32>
      %add3A_116 = arith.constant 8 : i32
      %add3A_117 = arith.addi %add3A_48, %add3A_116 : i32
      %add3A_118 = arith.constant 1 : i32
      %add3A_119 = arith.addi %add3A_117, %add3A_118 : i32
      %get3A_120 = arith.index_cast %add3A_119 : i32 to index
      %get3A_121 = tpu.vector_load %arg6[%get3A_120] {strides = array<i32>} : memref<1040xi32, #tpu.memory_space<vmem>>, vector<16xi32>,
      %add3A_122 = arith.constant 1 : i32
      %add3A_123 = vector.broadcast %add3A_122 : i32 to vector<16xi32>
      %add3A_124 = arith.addi %add3A_52, %add3A_123 : vector<16xi32>
      %ge3A_125 = arith.constant 0 : i32
      %ge3A_126 = vector.broadcast %ge3A_125 : i32 to vector<16xi32>
      %ge3A_127 = arith.cmpi sge, %add3A_124, %ge3A_126 : vector<16xi32>
      %add3A_128 = arith.constant 1 : i32
      %add3A_129 = vector.broadcast %add3A_128 : i32 to vector<16xi32>
      %add3A_130 = arith.addi %add3A_52, %add3A_129 : vector<16xi32>
      %lt3A_131 = arith.constant 2048 : i32
      %lt3A_132 = vector.broadcast %lt3A_131 : i32 to vector<16xi32>
      %lt3A_133 = arith.cmpi slt, %add3A_130, %lt3A_132 : vector<16xi32>
      %and3A_134 = arith.andi %ge3A_127, %lt3A_133 : vector<16xi1>
      %jit3A_135 = arith.constant -1 : i32
      %broadcast_in_dim3A_136 = vector.broadcast %jit3A_135 : i32 to vector<16xi32>
      %select_n3A_137 = arith.select %and3A_134, %get3A_121, %broadcast_in_dim3A_136 : vector<16xi1>, vector<16xi32>
      %add3A_138 = arith.constant 8 : i32
      %add3A_139 = arith.addi %add3A_48, %add3A_138 : i32
      %add3A_140 = arith.constant 2 : i32
      %add3A_141 = arith.addi %add3A_139, %add3A_140 : i32
      %get3A_142 = arith.index_cast %add3A_141 : i32 to index
      %get3A_143 = tpu.vector_load %arg6[%get3A_142] {strides = array<i32>} : memref<1040xi32, #tpu.memory_space<vmem>>, vector<16xi32>,
      %add3A_144 = arith.constant 2 : i32
      %add3A_145 = vector.broadcast %add3A_144 : i32 to vector<16xi32>
      %add3A_146 = arith.addi %add3A_52, %add3A_145 : vector<16xi32>
      %ge3A_147 = arith.constant 0 : i32
      %ge3A_148 = vector.broadcast %ge3A_147 : i32 to vector<16xi32>
      %ge3A_149 = arith.cmpi sge, %add3A_146, %ge3A_148 : vector<16xi32>
      %add3A_150 = arith.constant 2 : i32
      %add3A_151 = vector.broadcast %add3A_150 : i32 to vector<16xi32>
      %add3A_152 = arith.addi %add3A_52, %add3A_151 : vector<16xi32>
      %lt3A_153 = arith.constant 2048 : i32
      %lt3A_154 = vector.broadcast %lt3A_153 : i32 to vector<16xi32>
      %lt3A_155 = arith.cmpi slt, %add3A_152, %lt3A_154 : vector<16xi32>
      %and3A_156 = arith.andi %ge3A_149, %lt3A_155 : vector<16xi1>
      %jit3A_157 = arith.constant -1 : i32
      %broadcast_in_dim3A_158 = vector.broadcast %jit3A_157 : i32 to vector<16xi32>
      %select_n3A_159 = arith.select %and3A_156, %get3A_143, %broadcast_in_dim3A_158 : vector<16xi1>, vector<16xi32>
      %broadcast_in_dim3A_160 = arith.constant 0.000000e+00 : f32
      %broadcast_in_dim3A_161 = vector.broadcast %broadcast_in_dim3A_160 : f32 to vector<16xf32>
      %broadcast_in_dim3A_162 = arith.constant 0.000000e+00 : f32
      %broadcast_in_dim3A_163 = vector.broadcast %broadcast_in_dim3A_162 : f32 to vector<16xf32>
      %ge3A_164 = arith.constant 0 : i32
      %ge3A_165 = vector.broadcast %ge3A_164 : i32 to vector<16xi32>
      %ge3A_166 = arith.cmpi sge, %select_n3A_71, %ge3A_165 : vector<16xi32>
      %lt3A_167 = arith.constant 16 : i32
      %lt3A_168 = vector.broadcast %lt3A_167 : i32 to vector<16xi32>
      %lt3A_169 = arith.cmpi slt, %select_n3A_71, %lt3A_168 : vector<16xi32>
      %and3A_170 = arith.andi %ge3A_166, %lt3A_169 : vector<16xi1>
      %and3A_171 = arith.constant 1 : i32
      %and3A_172 = vector.broadcast %and3A_171 : i32 to vector<16xi32>
      %and3A_173 = arith.andi %select_n3A_71, %and3A_172 : vector<16xi32>
      %eq3A_174 = arith.constant 1 : i32
      %eq3A_175 = vector.broadcast %eq3A_174 : i32 to vector<16xi32>
      %eq3A_176 = arith.cmpi eq, %and3A_173, %eq3A_175 : vector<16xi32>
      %and3A_177 = arith.andi %and3A_170, %eq3A_176 : vector<16xi1>
      %ne3A_178 = arith.cmpi ne, %select_n3A_93, %select_n3A_71 : vector<16xi32>
      %and3A_179 = arith.andi %and3A_177, %ne3A_178 : vector<16xi1>
      %ne3A_180 = arith.cmpi ne, %select_n3A_115, %select_n3A_71 : vector<16xi32>
      %and3A_181 = arith.andi %and3A_179, %ne3A_180 : vector<16xi1>
      %ne3A_182 = arith.cmpi ne, %select_n3A_137, %select_n3A_71 : vector<16xi32>
      %and3A_183 = arith.andi %and3A_181, %ne3A_182 : vector<16xi1>
      %ne3A_184 = arith.cmpi ne, %select_n3A_159, %select_n3A_71 : vector<16xi32>
      %and3A_185 = arith.andi %and3A_183, %ne3A_184 : vector<16xi1>
      %add3A_186 = arith.constant -2 : i32
      %add3A_187 = vector.broadcast %add3A_186 : i32 to vector<16xi32>
      %add3A_188 = arith.addi %add3A_52, %add3A_187 : vector<16xi32>
      %broadcast_in_dim3A_189 = arith.constant 2.500000e-02 : f32
      %broadcast_in_dim3A_190 = vector.broadcast %broadcast_in_dim3A_189 : f32 to vector<16xf32>
      %eq3A_191 = arith.constant 1 : i32
      %eq3A_192 = vector.broadcast %eq3A_191 : i32 to vector<16xi32>
      %eq3A_193 = arith.cmpi eq, %add3A_188, %eq3A_192 : vector<16xi32>
      %eq3A_194 = arith.constant 2046 : i32
      %eq3A_195 = vector.broadcast %eq3A_194 : i32 to vector<16xi32>
      %eq3A_196 = arith.cmpi eq, %add3A_188, %eq3A_195 : vector<16xi32>
      %or3A = arith.ori %eq3A_193, %eq3A_196 : vector<16xi1>
      %jit3A_197 = arith.constant 0.0333333351 : f32
      %broadcast_in_dim3A_198 = vector.broadcast %jit3A_197 : f32 to vector<16xf32>
      %select_n3A_199 = arith.select %or3A, %broadcast_in_dim3A_198, %broadcast_in_dim3A_190 : vector<16xi1>, vector<16xf32>
      %eq3A_200 = arith.constant 0 : i32
      %eq3A_201 = vector.broadcast %eq3A_200 : i32 to vector<16xi32>
      %eq3A_202 = arith.cmpi eq, %add3A_188, %eq3A_201 : vector<16xi32>
      %eq3A_203 = arith.constant 2047 : i32
      %eq3A_204 = vector.broadcast %eq3A_203 : i32 to vector<16xi32>
      %eq3A_205 = arith.cmpi eq, %add3A_188, %eq3A_204 : vector<16xi32>
      %or3A_206 = arith.ori %eq3A_202, %eq3A_205 : vector<16xi1>
      %jit3A_207 = arith.constant 5.000000e-02 : f32
      %broadcast_in_dim3A_208 = vector.broadcast %jit3A_207 : f32 to vector<16xf32>
      %select_n3A_209 = arith.select %or3A_206, %broadcast_in_dim3A_208, %select_n3A_199 : vector<16xi1>, vector<16xf32>
      %jit3A_210 = arith.constant 0.000000e+00 : f32
      %broadcast_in_dim3A_211 = vector.broadcast %jit3A_210 : f32 to vector<16xf32>
      %select_n3A_212 = arith.select %and3A_185, %select_n3A_209, %broadcast_in_dim3A_211 : vector<16xi1>, vector<16xf32>
      %mul3A_213 = arith.constant 16 : i32
      %mul3A_214 = arith.muli %scan3A_44, %mul3A_213 : i32
      %add3A_215 = vector.broadcast %mul3A_214 : i32 to vector<16xi32>
      %add3A_216 = arith.addi %add3A_215, %iota3A : vector<16xi32>
      %jit3A_217 = arith.constant 0 : i32
      %broadcast_in_dim3A_218 = vector.broadcast %jit3A_217 : i32 to vector<16xi32>
      %select_n3A_219 = arith.select %and3A_185, %select_n3A_71, %broadcast_in_dim3A_218 : vector<16xi1>, vector<16xi32>
      %gather3A = tpu.vector_load_idx %arg7[%add3A_216, %select_n3A_219] : memref<512x128xf32, #tpu.memory_space<vmem>>[vector<16xi32>, vector<16xi32>], vector<16xf32>,
      %mul3A_220 = arith.mulf %select_n3A_212, %gather3A : vector<16xf32>
      %add3A_221 = arith.addf %broadcast_in_dim3A_161, %mul3A_220 : vector<16xf32>
      %add3A_222 = arith.addf %broadcast_in_dim3A_163, %select_n3A_212 : vector<16xf32>
      %ge3A_223 = arith.constant 0 : i32
      %ge3A_224 = vector.broadcast %ge3A_223 : i32 to vector<16xi32>
      %ge3A_225 = arith.cmpi sge, %select_n3A_93, %ge3A_224 : vector<16xi32>
      %lt3A_226 = arith.constant 16 : i32
      %lt3A_227 = vector.broadcast %lt3A_226 : i32 to vector<16xi32>
      %lt3A_228 = arith.cmpi slt, %select_n3A_93, %lt3A_227 : vector<16xi32>
      %and3A_229 = arith.andi %ge3A_225, %lt3A_228 : vector<16xi1>
      %and3A_230 = arith.constant 1 : i32
      %and3A_231 = vector.broadcast %and3A_230 : i32 to vector<16xi32>
      %and3A_232 = arith.andi %select_n3A_93, %and3A_231 : vector<16xi32>
      %eq3A_233 = arith.constant 1 : i32
      %eq3A_234 = vector.broadcast %eq3A_233 : i32 to vector<16xi32>
      %eq3A_235 = arith.cmpi eq, %and3A_232, %eq3A_234 : vector<16xi32>
      %and3A_236 = arith.andi %and3A_229, %eq3A_235 : vector<16xi1>
      %ne3A_237 = arith.cmpi ne, %select_n3A_115, %select_n3A_93 : vector<16xi32>
      %and3A_238 = arith.andi %and3A_236, %ne3A_237 : vector<16xi1>
      %ne3A_239 = arith.cmpi ne, %select_n3A_137, %select_n3A_93 : vector<16xi32>
      %and3A_240 = arith.andi %and3A_238, %ne3A_239 : vector<16xi1>
      %ne3A_241 = arith.cmpi ne, %select_n3A_159, %select_n3A_93 : vector<16xi32>
      %and3A_242 = arith.andi %and3A_240, %ne3A_241 : vector<16xi1>
      %add3A_243 = arith.constant -1 : i32
      %add3A_244 = vector.broadcast %add3A_243 : i32 to vector<16xi32>
      %add3A_245 = arith.addi %add3A_52, %add3A_244 : vector<16xi32>
      %broadcast_in_dim3A_246 = arith.constant 2.500000e-02 : f32
      %broadcast_in_dim3A_247 = vector.broadcast %broadcast_in_dim3A_246 : f32 to vector<16xf32>
      %eq3A_248 = arith.constant 1 : i32
      %eq3A_249 = vector.broadcast %eq3A_248 : i32 to vector<16xi32>
      %eq3A_250 = arith.cmpi eq, %add3A_245, %eq3A_249 : vector<16xi32>
      %eq3A_251 = arith.constant 2046 : i32
      %eq3A_252 = vector.broadcast %eq3A_251 : i32 to vector<16xi32>
      %eq3A_253 = arith.cmpi eq, %add3A_245, %eq3A_252 : vector<16xi32>
      %or3A_254 = arith.ori %eq3A_250, %eq3A_253 : vector<16xi1>
      %jit3A_255 = arith.constant 0.0333333351 : f32
      %broadcast_in_dim3A_256 = vector.broadcast %jit3A_255 : f32 to vector<16xf32>
      %select_n3A_257 = arith.select %or3A_254, %broadcast_in_dim3A_256, %broadcast_in_dim3A_247 : vector<16xi1>, vector<16xf32>
      %eq3A_258 = arith.constant 0 : i32
      %eq3A_259 = vector.broadcast %eq3A_258 : i32 to vector<16xi32>
      %eq3A_260 = arith.cmpi eq, %add3A_245, %eq3A_259 : vector<16xi32>
      %eq3A_261 = arith.constant 2047 : i32
      %eq3A_262 = vector.broadcast %eq3A_261 : i32 to vector<16xi32>
      %eq3A_263 = arith.cmpi eq, %add3A_245, %eq3A_262 : vector<16xi32>
      %or3A_264 = arith.ori %eq3A_260, %eq3A_263 : vector<16xi1>
      %jit3A_265 = arith.constant 5.000000e-02 : f32
      %broadcast_in_dim3A_266 = vector.broadcast %jit3A_265 : f32 to vector<16xf32>
      %select_n3A_267 = arith.select %or3A_264, %broadcast_in_dim3A_266, %select_n3A_257 : vector<16xi1>, vector<16xf32>
      %jit3A_268 = arith.constant 0.000000e+00 : f32
      %broadcast_in_dim3A_269 = vector.broadcast %jit3A_268 : f32 to vector<16xf32>
      %select_n3A_270 = arith.select %and3A_242, %select_n3A_267, %broadcast_in_dim3A_269 : vector<16xi1>, vector<16xf32>
      %mul3A_271 = arith.constant 16 : i32
      %mul3A_272 = arith.muli %scan3A_44, %mul3A_271 : i32
      %add3A_273 = vector.broadcast %mul3A_272 : i32 to vector<16xi32>
      %add3A_274 = arith.addi %add3A_273, %iota3A : vector<16xi32>
      %jit3A_275 = arith.constant 0 : i32
      %broadcast_in_dim3A_276 = vector.broadcast %jit3A_275 : i32 to vector<16xi32>
      %select_n3A_277 = arith.select %and3A_242, %select_n3A_93, %broadcast_in_dim3A_276 : vector<16xi1>, vector<16xi32>
      %gather3A_278 = tpu.vector_load_idx %arg7[%add3A_274, %select_n3A_277] : memref<512x128xf32, #tpu.memory_space<vmem>>[vector<16xi32>, vector<16xi32>], vector<16xf32>,
      %mul3A_279 = arith.mulf %select_n3A_270, %gather3A_278 : vector<16xf32>
      %add3A_280 = arith.addf %add3A_221, %mul3A_279 : vector<16xf32>
      %add3A_281 = arith.addf %add3A_222, %select_n3A_270 : vector<16xf32>
      %ge3A_282 = arith.constant 0 : i32
      %ge3A_283 = vector.broadcast %ge3A_282 : i32 to vector<16xi32>
      %ge3A_284 = arith.cmpi sge, %select_n3A_115, %ge3A_283 : vector<16xi32>
      %lt3A_285 = arith.constant 16 : i32
      %lt3A_286 = vector.broadcast %lt3A_285 : i32 to vector<16xi32>
      %lt3A_287 = arith.cmpi slt, %select_n3A_115, %lt3A_286 : vector<16xi32>
      %and3A_288 = arith.andi %ge3A_284, %lt3A_287 : vector<16xi1>
      %and3A_289 = arith.constant 1 : i32
      %and3A_290 = vector.broadcast %and3A_289 : i32 to vector<16xi32>
      %and3A_291 = arith.andi %select_n3A_115, %and3A_290 : vector<16xi32>
      %eq3A_292 = arith.constant 1 : i32
      %eq3A_293 = vector.broadcast %eq3A_292 : i32 to vector<16xi32>
      %eq3A_294 = arith.cmpi eq, %and3A_291, %eq3A_293 : vector<16xi32>
      %and3A_295 = arith.andi %and3A_288, %eq3A_294 : vector<16xi1>
      %ne3A_296 = arith.cmpi ne, %select_n3A_137, %select_n3A_115 : vector<16xi32>
      %and3A_297 = arith.andi %and3A_295, %ne3A_296 : vector<16xi1>
      %ne3A_298 = arith.cmpi ne, %select_n3A_159, %select_n3A_115 : vector<16xi32>
      %and3A_299 = arith.andi %and3A_297, %ne3A_298 : vector<16xi1>
      %broadcast_in_dim3A_300 = arith.constant 0.899999976 : f32
      %broadcast_in_dim3A_301 = vector.broadcast %broadcast_in_dim3A_300 : f32 to vector<16xf32>
      %jit3A_302 = arith.constant 0.000000e+00 : f32
      %broadcast_in_dim3A_303 = vector.broadcast %jit3A_302 : f32 to vector<16xf32>
      %select_n3A_304 = arith.select %and3A_299, %broadcast_in_dim3A_301, %broadcast_in_dim3A_303 : vector<16xi1>, vector<16xf32>
      %mul3A_305 = arith.constant 16 : i32
      %mul3A_306 = arith.muli %scan3A_44, %mul3A_305 : i32
      %add3A_307 = vector.broadcast %mul3A_306 : i32 to vector<16xi32>
      %add3A_308 = arith.addi %add3A_307, %iota3A : vector<16xi32>
      %jit3A_309 = arith.constant 0 : i32
      %broadcast_in_dim3A_310 = vector.broadcast %jit3A_309 : i32 to vector<16xi32>
      %select_n3A_311 = arith.select %and3A_299, %select_n3A_115, %broadcast_in_dim3A_310 : vector<16xi1>, vector<16xi32>
      %gather3A_312 = tpu.vector_load_idx %arg7[%add3A_308, %select_n3A_311] : memref<512x128xf32, #tpu.memory_space<vmem>>[vector<16xi32>, vector<16xi32>], vector<16xf32>,
      %mul3A_313 = arith.mulf %select_n3A_304, %gather3A_312 : vector<16xf32>
      %add3A_314 = arith.addf %add3A_280, %mul3A_313 : vector<16xf32>
      %add3A_315 = arith.addf %add3A_281, %select_n3A_304 : vector<16xf32>
      %ge3A_316 = arith.constant 0 : i32
      %ge3A_317 = vector.broadcast %ge3A_316 : i32 to vector<16xi32>
      %ge3A_318 = arith.cmpi sge, %select_n3A_137, %ge3A_317 : vector<16xi32>
      %lt3A_319 = arith.constant 16 : i32
      %lt3A_320 = vector.broadcast %lt3A_319 : i32 to vector<16xi32>
      %lt3A_321 = arith.cmpi slt, %select_n3A_137, %lt3A_320 : vector<16xi32>
      %and3A_322 = arith.andi %ge3A_318, %lt3A_321 : vector<16xi1>
      %and3A_323 = arith.constant 1 : i32
      %and3A_324 = vector.broadcast %and3A_323 : i32 to vector<16xi32>
      %and3A_325 = arith.andi %select_n3A_137, %and3A_324 : vector<16xi32>
      %eq3A_326 = arith.constant 1 : i32
      %eq3A_327 = vector.broadcast %eq3A_326 : i32 to vector<16xi32>
      %eq3A_328 = arith.cmpi eq, %and3A_325, %eq3A_327 : vector<16xi32>
      %and3A_329 = arith.andi %and3A_322, %eq3A_328 : vector<16xi1>
      %ne3A_330 = arith.cmpi ne, %select_n3A_159, %select_n3A_137 : vector<16xi32>
      %and3A_331 = arith.andi %and3A_329, %ne3A_330 : vector<16xi1>
      %add3A_332 = arith.constant 1 : i32
      %add3A_333 = vector.broadcast %add3A_332 : i32 to vector<16xi32>
      %add3A_334 = arith.addi %add3A_52, %add3A_333 : vector<16xi32>
      %broadcast_in_dim3A_335 = arith.constant 2.500000e-02 : f32
      %broadcast_in_dim3A_336 = vector.broadcast %broadcast_in_dim3A_335 : f32 to vector<16xf32>
      %eq3A_337 = arith.constant 1 : i32
      %eq3A_338 = vector.broadcast %eq3A_337 : i32 to vector<16xi32>
      %eq3A_339 = arith.cmpi eq, %add3A_334, %eq3A_338 : vector<16xi32>
      %eq3A_340 = arith.constant 2046 : i32
      %eq3A_341 = vector.broadcast %eq3A_340 : i32 to vector<16xi32>
      %eq3A_342 = arith.cmpi eq, %add3A_334, %eq3A_341 : vector<16xi32>
      %or3A_343 = arith.ori %eq3A_339, %eq3A_342 : vector<16xi1>
      %jit3A_344 = arith.constant 0.0333333351 : f32
      %broadcast_in_dim3A_345 = vector.broadcast %jit3A_344 : f32 to vector<16xf32>
      %select_n3A_346 = arith.select %or3A_343, %broadcast_in_dim3A_345, %broadcast_in_dim3A_336 : vector<16xi1>, vector<16xf32>
      %eq3A_347 = arith.constant 0 : i32
      %eq3A_348 = vector.broadcast %eq3A_347 : i32 to vector<16xi32>
      %eq3A_349 = arith.cmpi eq, %add3A_334, %eq3A_348 : vector<16xi32>
      %eq3A_350 = arith.constant 2047 : i32
      %eq3A_351 = vector.broadcast %eq3A_350 : i32 to vector<16xi32>
      %eq3A_352 = arith.cmpi eq, %add3A_334, %eq3A_351 : vector<16xi32>
      %or3A_353 = arith.ori %eq3A_349, %eq3A_352 : vector<16xi1>
      %jit3A_354 = arith.constant 5.000000e-02 : f32
      %broadcast_in_dim3A_355 = vector.broadcast %jit3A_354 : f32 to vector<16xf32>
      %select_n3A_356 = arith.select %or3A_353, %broadcast_in_dim3A_355, %select_n3A_346 : vector<16xi1>, vector<16xf32>
      %jit3A_357 = arith.constant 0.000000e+00 : f32
      %broadcast_in_dim3A_358 = vector.broadcast %jit3A_357 : f32 to vector<16xf32>
      %select_n3A_359 = arith.select %and3A_331, %select_n3A_356, %broadcast_in_dim3A_358 : vector<16xi1>, vector<16xf32>
      %mul3A_360 = arith.constant 16 : i32
      %mul3A_361 = arith.muli %scan3A_44, %mul3A_360 : i32
      %add3A_362 = vector.broadcast %mul3A_361 : i32 to vector<16xi32>
      %add3A_363 = arith.addi %add3A_362, %iota3A : vector<16xi32>
      %jit3A_364 = arith.constant 0 : i32
      %broadcast_in_dim3A_365 = vector.broadcast %jit3A_364 : i32 to vector<16xi32>
      %select_n3A_366 = arith.select %and3A_331, %select_n3A_137, %broadcast_in_dim3A_365 : vector<16xi1>, vector<16xi32>
      %gather3A_367 = tpu.vector_load_idx %arg7[%add3A_363, %select_n3A_366] : memref<512x128xf32, #tpu.memory_space<vmem>>[vector<16xi32>, vector<16xi32>], vector<16xf32>,
      %mul3A_368 = arith.mulf %select_n3A_359, %gather3A_367 : vector<16xf32>
      %add3A_369 = arith.addf %add3A_314, %mul3A_368 : vector<16xf32>
      %add3A_370 = arith.addf %add3A_315, %select_n3A_359 : vector<16xf32>
      %ge3A_371 = arith.constant 0 : i32
      %ge3A_372 = vector.broadcast %ge3A_371 : i32 to vector<16xi32>
      %ge3A_373 = arith.cmpi sge, %select_n3A_159, %ge3A_372 : vector<16xi32>
      %lt3A_374 = arith.constant 16 : i32
      %lt3A_375 = vector.broadcast %lt3A_374 : i32 to vector<16xi32>
      %lt3A_376 = arith.cmpi slt, %select_n3A_159, %lt3A_375 : vector<16xi32>
      %and3A_377 = arith.andi %ge3A_373, %lt3A_376 : vector<16xi1>
      %and3A_378 = arith.constant 1 : i32
      %and3A_379 = vector.broadcast %and3A_378 : i32 to vector<16xi32>
      %and3A_380 = arith.andi %select_n3A_159, %and3A_379 : vector<16xi32>
      %eq3A_381 = arith.constant 1 : i32
      %eq3A_382 = vector.broadcast %eq3A_381 : i32 to vector<16xi32>
      %eq3A_383 = arith.cmpi eq, %and3A_380, %eq3A_382 : vector<16xi32>
      %and3A_384 = arith.andi %and3A_377, %eq3A_383 : vector<16xi1>
      %add3A_385 = arith.constant 2 : i32
      %add3A_386 = vector.broadcast %add3A_385 : i32 to vector<16xi32>
      %add3A_387 = arith.addi %add3A_52, %add3A_386 : vector<16xi32>
      %broadcast_in_dim3A_388 = arith.constant 2.500000e-02 : f32
      %broadcast_in_dim3A_389 = vector.broadcast %broadcast_in_dim3A_388 : f32 to vector<16xf32>
      %eq3A_390 = arith.constant 1 : i32
      %eq3A_391 = vector.broadcast %eq3A_390 : i32 to vector<16xi32>
      %eq3A_392 = arith.cmpi eq, %add3A_387, %eq3A_391 : vector<16xi32>
      %eq3A_393 = arith.constant 2046 : i32
      %eq3A_394 = vector.broadcast %eq3A_393 : i32 to vector<16xi32>
      %eq3A_395 = arith.cmpi eq, %add3A_387, %eq3A_394 : vector<16xi32>
      %or3A_396 = arith.ori %eq3A_392, %eq3A_395 : vector<16xi1>
      %jit3A_397 = arith.constant 0.0333333351 : f32
      %broadcast_in_dim3A_398 = vector.broadcast %jit3A_397 : f32 to vector<16xf32>
      %select_n3A_399 = arith.select %or3A_396, %broadcast_in_dim3A_398, %broadcast_in_dim3A_389 : vector<16xi1>, vector<16xf32>
      %eq3A_400 = arith.constant 0 : i32
      %eq3A_401 = vector.broadcast %eq3A_400 : i32 to vector<16xi32>
      %eq3A_402 = arith.cmpi eq, %add3A_387, %eq3A_401 : vector<16xi32>
      %eq3A_403 = arith.constant 2047 : i32
      %eq3A_404 = vector.broadcast %eq3A_403 : i32 to vector<16xi32>
      %eq3A_405 = arith.cmpi eq, %add3A_387, %eq3A_404 : vector<16xi32>
      %or3A_406 = arith.ori %eq3A_402, %eq3A_405 : vector<16xi1>
      %jit3A_407 = arith.constant 5.000000e-02 : f32
      %broadcast_in_dim3A_408 = vector.broadcast %jit3A_407 : f32 to vector<16xf32>
      %select_n3A_409 = arith.select %or3A_406, %broadcast_in_dim3A_408, %select_n3A_399 : vector<16xi1>, vector<16xf32>
      %jit3A_410 = arith.constant 0.000000e+00 : f32
      %broadcast_in_dim3A_411 = vector.broadcast %jit3A_410 : f32 to vector<16xf32>
      %select_n3A_412 = arith.select %and3A_384, %select_n3A_409, %broadcast_in_dim3A_411 : vector<16xi1>, vector<16xf32>
      %mul3A_413 = arith.constant 16 : i32
      %mul3A_414 = arith.muli %scan3A_44, %mul3A_413 : i32
      %add3A_415 = vector.broadcast %mul3A_414 : i32 to vector<16xi32>
      %add3A_416 = arith.addi %add3A_415, %iota3A : vector<16xi32>
      %jit3A_417 = arith.constant 0 : i32
      %broadcast_in_dim3A_418 = vector.broadcast %jit3A_417 : i32 to vector<16xi32>
      %select_n3A_419 = arith.select %and3A_384, %select_n3A_159, %broadcast_in_dim3A_418 : vector<16xi1>, vector<16xi32>
      %gather3A_420 = tpu.vector_load_idx %arg7[%add3A_416, %select_n3A_419] : memref<512x128xf32, #tpu.memory_space<vmem>>[vector<16xi32>, vector<16xi32>], vector<16xf32>,
      %mul3A_421 = arith.mulf %select_n3A_412, %gather3A_420 : vector<16xf32>
      %add3A_422 = arith.addf %add3A_369, %mul3A_421 : vector<16xf32>
      %add3A_423 = arith.addf %add3A_370, %select_n3A_412 : vector<16xf32>
      %lt3A_424 = arith.constant 16 : i32
      %lt3A_425 = vector.broadcast %lt3A_424 : i32 to vector<16xi32>
      %lt3A_426 = arith.cmpi slt, %select_n3A_115, %lt3A_425 : vector<16xi32>
      %and3A_427 = arith.constant 1 : i32
      %and3A_428 = vector.broadcast %and3A_427 : i32 to vector<16xi32>
      %and3A_429 = arith.andi %select_n3A_115, %and3A_428 : vector<16xi32>
      %eq3A_430 = arith.constant 1 : i32
      %eq3A_431 = vector.broadcast %eq3A_430 : i32 to vector<16xi32>
      %eq3A_432 = arith.cmpi eq, %and3A_429, %eq3A_431 : vector<16xi32>
      %and3A_433 = arith.andi %lt3A_426, %eq3A_432 : vector<16xi1>
      %jit3A_434 = arith.constant 0.000000e+00 : f32
      %jit3A_435 = arith.constant 1.000000e+00 : f32
      %broadcast_in_dim3A_436 = vector.broadcast %jit3A_434 : f32 to vector<16xf32>
      %broadcast_in_dim3A_437 = vector.broadcast %jit3A_435 : f32 to vector<16xf32>
      %select_n3A_438 = arith.select %and3A_433, %broadcast_in_dim3A_436, %broadcast_in_dim3A_437 : vector<16xi1>, vector<16xf32>
      %add3A_439 = arith.addf %add3A_423, %select_n3A_438 : vector<16xf32>
      %swap3A = arith.index_cast %add3A_48 : i32 to index
      %swap3A_440 = tpu.vector_load %arg8[%swap3A] {strides = array<i32>} : memref<1024xf32, #tpu.memory_space<vmem>>, vector<16xf32>,
      tpu.vector_store %arg8[%swap3A], %add3A_422 {strides = array<i32>} : memref<1024xf32, #tpu.memory_space<vmem>>, vector<16xf32>,
      %swap3A_441 = arith.index_cast %add3A_48 : i32 to index
      %swap3A_442 = tpu.vector_load %arg9[%swap3A_441] {strides = array<i32>} : memref<1024xf32, #tpu.memory_space<vmem>>, vector<16xf32>,
      tpu.vector_store %arg9[%swap3A_441], %add3A_439 {strides = array<i32>} : memref<1024xf32, #tpu.memory_space<vmem>>, vector<16xf32>,
    }
    %scan3A_43 = arith.constant 32 : i32
    "tpu.region"() ({
      %run_scoped3A = tpu.sem_alloc : memref<!tpu.dma_semaphore, #tpu.memory_space<semaphore_mem>>
      %dma_start3A = tpu.memref_slice %arg4[%mul3A_2] : memref<32768xf32, #tpu.memory_space<hbm>> -> memref<1024xf32, #tpu.memory_space<hbm>>
      %dma_start3A_44 = tpu.memref_slice %arg4[%mul3A_2] : memref<32768xf32, #tpu.memory_space<hbm>> -> memref<1024xf32, #tpu.memory_space<hbm>>
      tpu.enqueue_dma source(%arg8 : memref<1024xf32, #tpu.memory_space<vmem>>) target(%dma_start3A_44 : memref<1024xf32, #tpu.memory_space<hbm>>) target_semaphore(%run_scoped3A : memref<!tpu.dma_semaphore, #tpu.memory_space<semaphore_mem>>)
      %dma_wait3A = tpu.memref_slice %arg4[%mul3A_2] : memref<32768xf32, #tpu.memory_space<hbm>> -> memref<1024xf32, #tpu.memory_space<hbm>>
      %dma_wait3A_45 = tpu.memref_slice %arg4[%mul3A_2] : memref<32768xf32, #tpu.memory_space<hbm>> -> memref<1024xf32, #tpu.memory_space<hbm>>
      tpu.wait_dma2 semaphore(%run_scoped3A : memref<!tpu.dma_semaphore, #tpu.memory_space<semaphore_mem>>) src(%arg8 : memref<1024xf32, #tpu.memory_space<vmem>>) dst(%dma_wait3A_45 : memref<1024xf32, #tpu.memory_space<hbm>>)
      tpu.yield
    }) : () -> ()
    "tpu.region"() ({
      %run_scoped3A = tpu.sem_alloc : memref<!tpu.dma_semaphore, #tpu.memory_space<semaphore_mem>>
      %dma_start3A = tpu.memref_slice %arg5[%mul3A_2] : memref<32768xf32, #tpu.memory_space<hbm>> -> memref<1024xf32, #tpu.memory_space<hbm>>
      %dma_start3A_44 = tpu.memref_slice %arg5[%mul3A_2] : memref<32768xf32, #tpu.memory_space<hbm>> -> memref<1024xf32, #tpu.memory_space<hbm>>
      tpu.enqueue_dma source(%arg9 : memref<1024xf32, #tpu.memory_space<vmem>>) target(%dma_start3A_44 : memref<1024xf32, #tpu.memory_space<hbm>>) target_semaphore(%run_scoped3A : memref<!tpu.dma_semaphore, #tpu.memory_space<semaphore_mem>>)
      %dma_wait3A = tpu.memref_slice %arg5[%mul3A_2] : memref<32768xf32, #tpu.memory_space<hbm>> -> memref<1024xf32, #tpu.memory_space<hbm>>
      %dma_wait3A_45 = tpu.memref_slice %arg5[%mul3A_2] : memref<32768xf32, #tpu.memory_space<hbm>> -> memref<1024xf32, #tpu.memory_space<hbm>>
      tpu.wait_dma2 semaphore(%run_scoped3A : memref<!tpu.dma_semaphore, #tpu.memory_space<semaphore_mem>>) src(%arg9 : memref<1024xf32, #tpu.memory_space<vmem>>) dst(%dma_wait3A_45 : memref<1024xf32, #tpu.memory_space<hbm>>)
      tpu.yield
    }) : () -> ()
    return
  }
}

module attributes {stable_mosaic.version = 14 : i64} {
  func.func @_tc_combine_body(%arg0: i32, %arg1: memref<32768xf32, #tpu.memory_space<vmem>>, %arg2: memref<32768xf32, #tpu.memory_space<vmem>>, %arg3: memref<32768xf32, #tpu.memory_space<vmem>>, %arg4: memref<1x1x1xf32, #tpu.memory_space<smem>>, %arg5: memref<1x1x1xf32, #tpu.memory_space<smem>>) attributes {dimension_semantics = [#tpu.dimension_semantics<arbitrary>], iteration_bounds = array<i64: 1>, scalar_prefetch = 0 : i64, scratch_operands = 0 : i64, tpu.core_type = #tpu.core_type<tc>, window_params = [{pipeline_mode = #tpu.pipeline_mode<synchronous>, transform_indices = @transform_0, window_bounds = array<i64: 32768>}, {pipeline_mode = #tpu.pipeline_mode<synchronous>, transform_indices = @transform_1, window_bounds = array<i64: 32768>}, {pipeline_mode = #tpu.pipeline_mode<synchronous>, transform_indices = @transform_2, window_bounds = array<i64: 32768>}, {transform_indices = @transform_3, window_bounds = array<i64: 1, 1, 1>}, {transform_indices = @transform_4, window_bounds = array<i64: 1, 1, 1>}]} {
    %get3A = arith.constant 0 : index
    %get3A_0 = vector.load %arg3[%get3A] : memref<32768xf32, #tpu.memory_space<vmem>>, vector<32768xf32>
    %get3A_1 = arith.constant 0 : index
    %get3A_2 = vector.load %arg1[%get3A_1] : memref<32768xf32, #tpu.memory_space<vmem>>, vector<32768xf32>
    %mul3A = arith.mulf %get3A_0, %get3A_2 : vector<32768xf32>
    %get3A_3 = arith.constant 0 : index
    %get3A_4 = vector.load %arg2[%get3A_3] : memref<32768xf32, #tpu.memory_space<vmem>>, vector<32768xf32>
    %sub3A = arith.subf %mul3A, %get3A_4 : vector<32768xf32>
    %reduce_sum3A = vector.shape_cast %sub3A : vector<32768xf32> to vector<1x32768xf32>
    %reduce_sum3A_5 = arith.constant dense<0.000000e+00> : vector<1xf32>
    %reduce_sum3A_6 = vector.multi_reduction <add>, %reduce_sum3A, %reduce_sum3A_5 [1] : vector<1x32768xf32> to vector<1xf32>
    %reduce_sum3A_7 = vector.shape_cast %reduce_sum3A_6 : vector<1xf32> to vector<1x1xf32>
    %reduce_sum3A_8 = vector.extract %reduce_sum3A_7[0, 0] : f32 from vector<1x1xf32>
    %get3A_9 = arith.constant 0 : index
    %get3A_10 = arith.constant 0 : index
    %get3A_11 = arith.constant 0 : index
    %get3A_12 = memref.load %arg4[%get3A_9, %get3A_10, %get3A_11] : memref<1x1x1xf32, #tpu.memory_space<smem>>
    %sub3A_13 = arith.subf %reduce_sum3A_8, %get3A_12 : f32
    %div3A = arith.constant 3.276800e+04 : f32
    %div3A_14 = arith.divf %sub3A_13, %div3A : f32
    %swap3A = arith.constant 0 : index
    %swap3A_15 = arith.constant 0 : index
    %swap3A_16 = arith.constant 0 : index
    %swap3A_17 = memref.load %arg5[%swap3A, %swap3A_15, %swap3A_16] : memref<1x1x1xf32, #tpu.memory_space<smem>>
    memref.store %div3A_14, %arg5[%swap3A, %swap3A_15, %swap3A_16] : memref<1x1x1xf32, #tpu.memory_space<smem>>
    return
  }
  func.func @transform_0(%arg0: i32) -> i32 {
    %c0_i32 = arith.constant 0 : i32
    %c0_i32_0 = arith.constant 0 : i32
    return %c0_i32 : i32
  }
  func.func @transform_1(%arg0: i32) -> i32 {
    %c0_i32 = arith.constant 0 : i32
    %c0_i32_0 = arith.constant 0 : i32
    return %c0_i32 : i32
  }
  func.func @transform_2(%arg0: i32) -> i32 {
    %c0_i32 = arith.constant 0 : i32
    %c0_i32_0 = arith.constant 0 : i32
    return %c0_i32 : i32
  }
  func.func @transform_3(%arg0: i32) -> (i32, i32, i32) {
    %c0_i32 = arith.constant 0 : i32
    %c0_i32_0 = arith.constant 0 : i32
    %c0_i32_1 = arith.constant 0 : i32
    %c0_i32_2 = arith.constant 0 : i32
    return %c0_i32, %c0_i32_0, %c0_i32_1 : i32, i32, i32
  }
  func.func @transform_4(%arg0: i32) -> (i32, i32, i32) {
    %c0_i32 = arith.constant 0 : i32
    %c0_i32_0 = arith.constant 0 : i32
    %c0_i32_1 = arith.constant 0 : i32
    %c0_i32_2 = arith.constant 0 : i32
    return %c0_i32, %c0_i32_0, %c0_i32_1 : i32, i32, i32
  }
}

module attributes {stable_mosaic.version = 14 : i64} {
  func.func @_tc_lse_body(%arg0: i32, %arg1: memref<1x4096x512xf32, #tpu.memory_space<vmem>>, %arg2: memref<4096xi32, #tpu.memory_space<vmem>>, %arg3: memref<4096xf32, #tpu.memory_space<vmem>>, %arg4: memref<1x1x1xf32, #tpu.memory_space<smem>>) attributes {dimension_semantics = [#tpu.dimension_semantics<arbitrary>], iteration_bounds = array<i64: 8>, scalar_prefetch = 0 : i64, scratch_operands = 0 : i64, tpu.core_type = #tpu.core_type<tc>, window_params = [{transform_indices = @transform_0, window_bounds = array<i64: 1, 4096, 512>}, {transform_indices = @transform_1, window_bounds = array<i64: 4096>}, {transform_indices = @transform_2, window_bounds = array<i64: 4096>}, {transform_indices = @transform_3, window_bounds = array<i64: 1, 1, 1>}]} {
    %get3A = arith.constant 0 : index
    %get3A_0 = arith.constant 0 : index
    %get3A_1 = arith.constant 0 : index
    %get3A_2 = vector.load %arg1[%get3A, %get3A_0, %get3A_1] : memref<1x4096x512xf32, #tpu.memory_space<vmem>>, vector<1x4096x512xf32>
    %get3A_3 = vector.shape_cast %get3A_2 : vector<1x4096x512xf32> to vector<4096x512xf32>
    %get3A_4 = arith.constant 0 : index
    %get3A_5 = vector.load %arg2[%get3A_4] : memref<4096xi32, #tpu.memory_space<vmem>>, vector<4096xi32>
    %broadcast_in_dim3A = vector.shape_cast %get3A_5 : vector<4096xi32> to vector<4096x1xi32>
    %lt3A = arith.constant 16 : i32
    %lt3A_6 = vector.broadcast %lt3A : i32 to vector<4096x1xi32>
    %lt3A_7 = arith.cmpi slt, %broadcast_in_dim3A, %lt3A_6 : vector<4096x1xi32>
    %jit3A = arith.constant 2 : i32
    %eq3A = arith.constant 0 : i32
    %eq3A_8 = arith.cmpi eq, %jit3A, %eq3A : i32
    %jit3A_9 = arith.constant 1 : i32
    %select_n3A = arith.select %eq3A_8, %jit3A_9, %jit3A : i32
    %rem3A = vector.broadcast %select_n3A : i32 to vector<4096x1xi32>
    %rem3A_10 = arith.remsi %broadcast_in_dim3A, %rem3A : vector<4096x1xi32>
    %ne3A = arith.constant 0 : i32
    %ne3A_11 = vector.broadcast %ne3A : i32 to vector<4096x1xi32>
    %ne3A_12 = arith.cmpi ne, %rem3A_10, %ne3A_11 : vector<4096x1xi32>
    %lt3A_13 = arith.constant 0 : i32
    %lt3A_14 = vector.broadcast %lt3A_13 : i32 to vector<4096x1xi32>
    %lt3A_15 = arith.cmpi slt, %rem3A_10, %lt3A_14 : vector<4096x1xi32>
    %lt3A_16 = arith.constant 0 : i32
    %lt3A_17 = arith.cmpi slt, %select_n3A, %lt3A_16 : i32
    %ne3A_18 = vector.broadcast %lt3A_17 : i1 to vector<4096x1xi1>
    %ne3A_19 = vector.broadcast %ne3A_18 : vector<4096x1xi1> to vector<4096x1xi1>
    %ne3A_20 = arith.xori %lt3A_15, %ne3A_19 : vector<4096x1xi1>
    %and3A = arith.andi %ne3A_20, %ne3A_12 : vector<4096x1xi1>
    %add3A = vector.broadcast %select_n3A : i32 to vector<4096x1xi32>
    %add3A_21 = arith.addi %rem3A_10, %add3A : vector<4096x1xi32>
    %select_n3A_22 = arith.select %and3A, %add3A_21, %rem3A_10 : vector<4096x1xi1>, vector<4096x1xi32>
    %eq3A_23 = arith.constant 1 : i32
    %eq3A_24 = vector.broadcast %eq3A_23 : i32 to vector<4096x1xi32>
    %eq3A_25 = arith.cmpi eq, %select_n3A_22, %eq3A_24 : vector<4096x1xi32>
    %and3A_26 = arith.andi %lt3A_7, %eq3A_25 : vector<4096x1xi1>
    %iota3A = tpu.iota {dimensions = array<i32: 1>} : vector<4096x512xi32>
    %eq3A_27 = vector.broadcast %broadcast_in_dim3A : vector<4096x1xi32> to vector<4096x512xi32>
    %eq3A_28 = arith.cmpi eq, %iota3A, %eq3A_27 : vector<4096x512xi32>
    %jit3A_29 = arith.constant 0.000000e+00 : f32
    %broadcast_in_dim3A_30 = vector.broadcast %jit3A_29 : f32 to vector<4096x512xf32>
    %select_n3A_31 = arith.select %eq3A_28, %get3A_3, %broadcast_in_dim3A_30 : vector<4096x512xi1>, vector<4096x512xf32>
    %reduce_sum3A = arith.constant dense<0.000000e+00> : vector<4096xf32>
    %reduce_sum3A_32 = vector.multi_reduction <add>, %select_n3A_31, %reduce_sum3A [1] : vector<4096x512xf32> to vector<4096xf32>
    %broadcast_in_dim3A_33 = vector.shape_cast %reduce_sum3A_32 : vector<4096xf32> to vector<4096x1xf32>
    %reduce_max3A = arith.constant dense<0xFF800000> : vector<4096xf32>
    %reduce_max3A_34 = vector.multi_reduction <maximumf>, %get3A_3, %reduce_max3A [1] : vector<4096x512xf32> to vector<4096xf32>
    %broadcast_in_dim3A_35 = vector.shape_cast %reduce_max3A_34 : vector<4096xf32> to vector<4096x1xf32>
    %sub3A = vector.broadcast %broadcast_in_dim3A_35 : vector<4096x1xf32> to vector<4096x512xf32>
    %sub3A_36 = arith.subf %get3A_3, %sub3A : vector<4096x512xf32>
    %exp3A = math.exp %sub3A_36 : vector<4096x512xf32>
    %reduce_sum3A_37 = arith.constant dense<0.000000e+00> : vector<4096xf32>
    %reduce_sum3A_38 = vector.multi_reduction <add>, %exp3A, %reduce_sum3A_37 [1] : vector<4096x512xf32> to vector<4096xf32>
    %broadcast_in_dim3A_39 = vector.shape_cast %reduce_sum3A_38 : vector<4096xf32> to vector<4096x1xf32>
    %log3A = math.log %broadcast_in_dim3A_39 : vector<4096x1xf32>
    %add3A_40 = arith.addf %broadcast_in_dim3A_35, %log3A : vector<4096x1xf32>
    %squeeze3A = vector.shape_cast %add3A_40 : vector<4096x1xf32> to vector<4096xf32>
    %swap3A = arith.constant 0 : index
    %swap3A_41 = vector.load %arg3[%swap3A] : memref<4096xf32, #tpu.memory_space<vmem>>, vector<4096xf32>
    tpu.vector_store %arg3[%swap3A], %squeeze3A {strides = array<i32>} : memref<4096xf32, #tpu.memory_space<vmem>>, vector<4096xf32>,
    %eq3A_42 = arith.constant 0 : i32
    %eq3A_43 = arith.cmpi eq, %arg0, %eq3A_42 : i32
    %convert_element_type3A = arith.extui %eq3A_43 : i1 to i32
    %cond3A = arith.constant 0 : i32
    %cond3A_44 = arith.cmpi ne, %convert_element_type3A, %cond3A : i32
    scf.if %cond3A_44 {
      %swap3A_62 = arith.constant 0.000000e+00 : f32
      %swap3A_63 = arith.constant 0 : index
      %swap3A_64 = arith.constant 0 : index
      %swap3A_65 = arith.constant 0 : index
      %swap3A_66 = memref.load %arg4[%swap3A_63, %swap3A_64, %swap3A_65] : memref<1x1x1xf32, #tpu.memory_space<smem>>
      memref.store %swap3A_62, %arg4[%swap3A_63, %swap3A_64, %swap3A_65] : memref<1x1x1xf32, #tpu.memory_space<smem>>
    } else {
    }
    %get3A_45 = arith.constant 0 : index
    %get3A_46 = arith.constant 0 : index
    %get3A_47 = arith.constant 0 : index
    %get3A_48 = memref.load %arg4[%get3A_45, %get3A_46, %get3A_47] : memref<1x1x1xf32, #tpu.memory_space<smem>>
    %jit3A_49 = arith.constant 0.000000e+00 : f32
    %broadcast_in_dim3A_50 = vector.broadcast %jit3A_49 : f32 to vector<4096x1xf32>
    %select_n3A_51 = arith.select %and3A_26, %broadcast_in_dim3A_50, %broadcast_in_dim3A_33 : vector<4096x1xi1>, vector<4096x1xf32>
    %reduce_sum3A_52 = vector.shape_cast %select_n3A_51 : vector<4096x1xf32> to vector<1x4096x1xf32>
    %reduce_sum3A_53 = arith.constant dense<0.000000e+00> : vector<1xf32>
    %reduce_sum3A_54 = vector.multi_reduction <add>, %reduce_sum3A_52, %reduce_sum3A_53 [1, 2] : vector<1x4096x1xf32> to vector<1xf32>
    %reduce_sum3A_55 = vector.shape_cast %reduce_sum3A_54 : vector<1xf32> to vector<1x1x1xf32>
    %reduce_sum3A_56 = vector.extract %reduce_sum3A_55[0, 0, 0] : f32 from vector<1x1x1xf32>
    %add3A_57 = arith.addf %get3A_48, %reduce_sum3A_56 : f32
    %swap3A_58 = arith.constant 0 : index
    %swap3A_59 = arith.constant 0 : index
    %swap3A_60 = arith.constant 0 : index
    %swap3A_61 = memref.load %arg4[%swap3A_58, %swap3A_59, %swap3A_60] : memref<1x1x1xf32, #tpu.memory_space<smem>>
    memref.store %add3A_57, %arg4[%swap3A_58, %swap3A_59, %swap3A_60] : memref<1x1x1xf32, #tpu.memory_space<smem>>
    return
  }
  func.func @transform_0(%arg0: i32) -> (i32, i32, i32) {
    %c0_i32 = arith.constant 0 : i32
    %c0_i32_0 = arith.constant 0 : i32
    %c0_i32_1 = arith.constant 0 : i32
    return %arg0, %c0_i32, %c0_i32_0 : i32, i32, i32
  }
  func.func @transform_1(%arg0: i32) -> i32 {
    %c0_i32 = arith.constant 0 : i32
    return %arg0 : i32
  }
  func.func @transform_2(%arg0: i32) -> i32 {
    %c0_i32 = arith.constant 0 : i32
    return %arg0 : i32
  }
  func.func @transform_3(%arg0: i32) -> (i32, i32, i32) {
    %c0_i32 = arith.constant 0 : i32
    %c0_i32_0 = arith.constant 0 : i32
    %c0_i32_1 = arith.constant 0 : i32
    %c0_i32_2 = arith.constant 0 : i32
    return %c0_i32, %c0_i32_0, %c0_i32_1 : i32, i32, i32
  }
}

</mosaic_0001>

<sc_bundles>
// kernel: kernel.5.cloned.1.call-start
scs
__scs_entry_jumppad:
0x0: {  	(pc) =	sbr.rel $0x88, $3  }
0x1: {  	(tag) =	ssettag $0x0;
	lr =	simm.s32 $0x1  }
0x2: {  	[smem:$0x3F9F] =	sst lr;
	_ =	strace $0xD0000000  }
0x3: {  	_ = 	snop  }
0x4: {  	_ = 	snop  }
0x5: {  	_ = 	snop  }
0x6: {  	_ = 	snop  }
0x7: {  	_ = 	snop  }
__scs_overlays_trampoline_lowered:
0x8: {  	[smem:$0x3FAE] =	sst s0  }
0x9: {  	[smem:$0x3FAF] =	sst s1  }
0xa: {  	[smem:$0x3FB0] =	sst s2  }
0xb: {  	[smem:$0x3FB1] =	sst s3  }
0xc: {  	[smem:$0x3FB2] =	sst s4  }
0xd: {  	[smem:$0x3FB3] =	sst s5  }
0xe: {  	[smem:$0x3FB4] =	sst s6  }
0xf: {  	[smem:$0x3FB5] =	sst s7  }
0x10: {  	[smem:$0x3FB6] =	sst s8  }
0x11: {  	[smem:$0x3FB7] =	sst s9;
	s0 =	simm.s32 @!p0 $0x0  }
0x12: {  	s1 =	sld [smem:$0x3F9D];
	s0 =	simm.s32 @p0 $0x1  }
0x13: {  	[smem:$0x3FB8] =	sst s0;
	s0 =	simm.s32 @!p1 $0x0  }
0x14: {  	s2 =	sld [smem:$0x3F9C];
	s0 =	simm.s32 @p1 $0x1  }
0x15: {  	[smem:$0x3FB9] =	sst s0;
	s0 =	simm.s32 @!p2 $0x0  }
0x16: {  	s3 =	sld [smem:$0x3FDB];
	s0 =	simm.s32 @p2 $0x1  }
0x17: {  	s4 =	simm.s32 $0x1BF5;
	[smem:$0x3FBB] =	sst s0  }
0x18: {  	s0 =	sld [smem:$0x3F9E];
	_ =	swait.ge [sflag:s4], $0x0  }
0x19: {  	s7 =	sld [smem:$0x3F9F]  }
0x1a: {  	s8 =	sadd.s32 $0xFFFFE003, lr  }
0x1b: {  	s9 =	sadd.s32 $0xFFFFFEF7, lr;
	s5 =	simm.s32 $0xFFFFFFFF;
	p2 =	slt.u32 s8, $0xFFFFF086  }
0x1c: {  	p1 =	slt.u32 s9, $0xF7A;
	s5 =	simm.s32 @!p2 $0x0  }
0x1d: {  	s5 =	simm.s32 @p1 $0x1;
	p0 =	seq.s32 s7, s2  }
0x1e: {  	s7 =	smul.u32 @!p0 $0xF7A, s2;
	p2 =	seq.s32 @!p0 s5, $0x0  }
0x1f: {  	s9 =	smul.u32 $0xF7A, s1;
	s8 =	simm.s32 @!p0 $0x1BF5;
	p2 =	por !p2, p0  }
0x20: {  	[sflag:s8] =	ssyncset.s32 @!p0 $0xFFFFF086;
	s6 =	sadd.s32 @!p0 s3, s7;
	s7 =	simm.s32 @!p0 $0x108  }
0x21: {  	s3 =	sadd.s32 s3, s9;
	s6 =	sadd.s32 @!p0 $0x88, s6;
	s7 =	simm.s32 @p2 $0x1082  }
0x22: {  	[simem:s7], [sflag:s8] =	dma.local @!p0 [hbm:s6], $0xF7A  }
0x23: {  	s9 =	sor.u32 $0xD0000000, s2;
	s6 =	simm.s32 $0x108;
	_ =	swait.ge @!p0 [sflag:s8], $0x0  }
0x24: {  	s3 =	sadd.s32 $0x88, s3;
	s6 =	simm.s32 @!p1 $0x1082;
	[sflag:s4] =	ssyncset.s32 $0xFFFFF086  }
0x25: {  	[simem:s6], [sflag:s4] =	dma.local [hbm:s3], $0xF7A  }
0x26: {  	[smem:$0x3F9F] =	sst s1;
	(tag) =	ssettag s2;
	_ =	strace s9  }
0x27: {  	s1 =	sld [smem:$0x3FAF]  }
0x28: {  	s2 =	sld [smem:$0x3FB0]  }
0x29: {  	s4 =	sld [smem:$0x3FB2]  }
0x2a: {  	p0 =	seq.s32 s5, $0x0;
	s5 =	sld [smem:$0x3FB3]  }
0x2b: {  	s6 =	sld [smem:$0x3FB4]  }
0x2c: {  	s7 =	sld [smem:$0x3FB5]  }
0x2d: {  	s3 =	simm.s32 $0x108;
	s8 =	sld [smem:$0x3FB6]  }
0x2e: {  	s3 =	simm.s32 @!p0 $0x1082;
	s9 =	sld [smem:$0x3FB7]  }
0x2f: {  	lr =	sadd.s32 s0, s3;
	s0 =	sld [smem:$0x3FAE]  }
0x30: {  	s3 =	sld [smem:$0x3FB1]  }
0x31: {  	[smem:$0x3FBA] =	sst s10  }
0x32: {  	s10 =	sld [smem:$0x3FB8];
	_ =	sdelay $0x3  }
0x33: {  	p0 =	seq.s32 s10, $0x1;
	s10 =	sld [smem:$0x3FBA];
	_ =	sdelay $0x3  }
0x34: {  	[smem:$0x3FBA] =	sst s10  }
0x35: {  	s10 =	sld [smem:$0x3FB9];
	_ =	sdelay $0x3  }
0x36: {  	p1 =	seq.s32 s10, $0x1;
	s10 =	sld [smem:$0x3FBA];
	_ =	sdelay $0x3  }
0x37: {  	[smem:$0x3FBA] =	sst s10  }
0x38: {  	s10 =	sld [smem:$0x3FBB]  }
0x39: {  	_ = 	snop;
	(pc) =	sbr.ind lr, $3  }
0x3a: {  	_ = 	snop  }
0x3b: {  	_ = 	snop  }
0x3c: {  	p2 =	seq.s32 s10, $0x1;
	s10 =	sld [smem:$0x3FBA]  }
0x3d: {  	_ =	shalt  }
0x3e: {  	_ =	shalt  }
0x3f: {  	_ =	shalt  }
0x40: {  	_ =	shalt  }
0x41: {  	_ =	shalt  }
0x42: {  	_ =	shalt  }
0x43: {  	_ =	shalt  }
0x44: {  	_ =	shalt  }
0x45: {  	_ =	shalt  }
0x46: {  	_ =	shalt  }
0x47: {  	_ =	shalt  }
0x48: {  	_ =	shalt  }
0x49: {  	_ =	shalt  }
0x4a: {  	_ =	shalt  }
0x4b: {  	_ =	shalt  }
0x4c: {  	_ =	shalt  }
0x4d: {  	_ =	shalt  }
0x4e: {  	_ =	shalt  }
0x4f: {  	_ =	shalt  }
0x50: {  	_ =	shalt  }
0x51: {  	_ =	shalt  }
0x52: {  	_ =	shalt  }
0x53: {  	_ =	shalt  }
0x54: {  	_ =	shalt  }
0x55: {  	_ =	shalt  }
0x56: {  	_ =	shalt  }
0x57: {  	_ =	shalt  }
0x58: {  	_ =	shalt  }
0x59: {  	_ =	shalt  }
0x5a: {  	_ =	shalt  }
0x5b: {  	_ =	shalt  }
0x5c: {  	_ =	shalt  }
0x5d: {  	_ =	shalt  }
0x5e: {  	_ =	shalt  }
0x5f: {  	_ =	shalt  }
0x60: {  	_ =	shalt  }
0x61: {  	_ =	shalt  }
0x62: {  	_ =	shalt  }
0x63: {  	_ =	shalt  }
0x64: {  	_ =	shalt  }
0x65: {  	_ =	shalt  }
0x66: {  	_ =	shalt  }
0x67: {  	_ =	shalt  }
0x68: {  	_ =	shalt  }
0x69: {  	_ =	shalt  }
0x6a: {  	_ =	shalt  }
0x6b: {  	_ =	shalt  }
0x6c: {  	_ =	shalt  }
0x6d: {  	_ =	shalt  }
0x6e: {  	_ =	shalt  }
0x6f: {  	_ =	shalt  }
0x70: {  	_ =	shalt  }
0x71: {  	_ =	shalt  }
0x72: {  	_ =	shalt  }
0x73: {  	_ =	shalt  }
0x74: {  	_ =	shalt  }
0x75: {  	_ =	shalt  }
0x76: {  	_ =	shalt  }
0x77: {  	_ =	shalt  }
0x78: {  	_ =	shalt  }
0x79: {  	_ =	shalt  }
0x7a: {  	_ =	shalt  }
0x7b: {  	_ =	shalt  }
0x7c: {  	_ =	shalt  }
0x7d: {  	_ =	shalt  }
0x7e: {  	_ =	shalt  }
0x7f: {  	_ =	shalt  }
0x80: {  	_ =	shalt  }
0x81: {  	_ =	shalt  }
0x82: {  	_ =	shalt  }
0x83: {  	_ =	shalt  }
0x84: {  	_ =	shalt  }
0x85: {  	_ =	shalt  }
0x86: {  	_ =	shalt  }
0x87: {  	_ =	shalt  }
.Lfunc_end0:
.L_simem_size_0:
called_computation_lowered:
.L_overlay_start_0:
0x88: {  	s2 =	sld [smem:$0x3FD9]  }
0x89: {  	s3 =	sld [smem:$0x3FFE];
	_ =	sdelay $0x1  }
0x8a: {  	s1 =	srdreg.scid  }
0x8b: {  	s0 =	sand.u32 $0x1, s1  }
0x8c: {  	s17 =	sshll.u32 s0, $0xA;
	s2 =	sadd.s32 s3, s2  }
0x8d: {  	s2 =	sadd.s32 s2, s17  }
0x8e: {  	[smem:$0x3FC6] =	sst s2  }
0x8f: {  	_ = 	snop  }
0x90: {  	s2 =	sld [smem:$0x3FC9]  }
0x91: {  	s18 =	sld [smem:$0x3FC8];
	(tm) =	ssettm $0x1  }
0x92: {  	s4 =	sld [smem:$0x3FFB];
	_ =	sdelay $0x3  }
0x93: {  	_ =	strace s4  }
0x94: {  	s4 =	sld [smem:$0x3FFC];
	_ =	sdelay $0x3  }
0x95: {  	_ =	strace s4  }
0x96: {  	s4 =	sld [smem:$0x3FFD];
	_ =	sdelay $0x3  }
0x97: {  	_ =	strace s4  }
0x98: {  	_ =	strace $0x8FFFFFFF  }
0x99: {  	s19 =	sld [smem:$0x3FDB];
	_ =	sdelay $0x1  }
0x9a: {  	s5 =	simm.s32 $_scs_section_size  }
0x9b: {  	s6 =	simm.s32 $_size__tile_overlayer_lowered;
	s7 =	simm.s32 $_tile_overlayer_lowered  }
0x9c: {  	s22 =	simm.s32 $0x1BFF;
	s21 =	sshll.u32 s7, $0x1;
	s4 =	sadd.s32 s5, s19  }
0x9d: {  	s8 =	simm.s32 $0x0;
	s20 =	sshll.u32 s6, $0x1;
	s6 =	sadd.s32 s21, s4  }
0x9e: {  	[timem:s8], [sflag:s22] =	dma.local [hbm:s6], s20  }
0x9f: {  	_ =	swait.ge [sflag:s22], s20  }
0xa0: {  	s5 =	ssub.s32 $0x0, s20;
	[sflag:s22] =	ssyncset.done $0x0  }
0xa1: {  	[sflag:s22] =	ssyncadd.s32 s5;
	_ =	sdelay $0x1  }
0xa2: {  	s23 =	simm.s32 $0x1B8B  }
0xa3: {  	_ =	swait.ge [sflag:s23], $0x1  }
0xa4: {  	[sflag:s23] =	ssyncset.done $0x0  }
0xa5: {  	s25 =	simm.s32 $0x1B8E;
	s24 =	sld [smem:$0x3FFE];
	[sflag:s23] =	ssyncadd.s32 $0xFFFFFFFF  }
0xa6: {  	s26 =	simm.s32 $execute0_lowered;
	[smem:$0x3FD2] =	sst s25  }
0xa7: {  	s6 =	sshll.u32 s26, $0x1;
	_ =	strace $0x80000046;
	[dreg:$0x1] =	wrdreg $0xFFFFFFFF  }
0xa8: {  	s28 =	simm.s32 $_size_execute0_lowered;
	s4 =	sadd.s32 s4, s6;
	[dreg:$0x0] =	wrdreg $0x0  }
0xa9: {  	s6 =	sshll.u32 s28, $0x1;
	[dreg:$0x2] =	wrdreg s4  }
0xaa: {  	[dreg:$0x3] =	wrdreg s6  }
0xab: {  	[dreg:$0x4] =	wrdreg $0xC0  }
0xac: {  	_ =	task [dreg:s8], $0x5FFFF  }
0xad: {  	[dreg:$0x1] =	wrdreg $0xFFFFFFFF  }
0xae: {  	[dreg:$0x0] =	wrdreg $0x60  }
0xaf: {  	[dreg:$0x2] =	wrdreg s18  }
0xb0: {  	[dreg:$0x3] =	wrdreg s2  }
0xb1: {  	[dreg:$0x4] =	wrdreg s24  }
0xb2: {  	[dreg:$0x5] =	wrdreg $0x9  }
0xb3: {  	_ =	task.clear_ibuf [dreg:s8], $0x6FFFF;
	_ =	strace $0x90000046  }
0xb4: {  	s29 =	simm.s32 $0x9;
	_ =	strace $0x80000048  }
0xb5: {  	_ =	swait.ge [sflag:s29], $0x1  }
0xb6: {  	[sflag:s29] =	ssyncadd.s32 $0xFFFFFFFF  }
0xb7: {  	_ =	strace $0x90000048  }
0xb8: {  	_ =	sfence  }
0xb9: {  	s30 =	sld [smem:$0x0];
	_ =	sdelay $0x2  }
0xba: {  	s31 =	sshll.u32 s1, $0xD;
	s1 =	sshrl.u32 s1, $0x2  }
0xbb: {  	s3 =	sand.u32 $0x4000, s31;
	s1 =	sadd.s32 s1, s30  }
0xbc: {  	s0 =	sor.u32 s3, s0;
	s1 =	sshll.u32 s1, $0x11  }
0xbd: {  	s0 =	sor.u32 s1, s0  }
0xbe: {  	s0 =	sadd.s32 $0x8F2B, s0  }
0xbf: {  	[sflag:s0] =	ssyncadd.remote.s32 $0x1  }
0xc0: {  	_ =	sfence.sel $0xFFFF  }
0xc1: {  	[dreg:$0x0] =	wrdreg $0xFFFFFFFF;
	(pc) =	sbr.abs _section_cstart, $3  }
0xc2: {  	[dreg:$0x1] =	wrdreg $0xFFFFFFFF  }
0xc3: {  	_ =	task.clear_ibuf [dreg:s8], $0x2FFFF;
	_ =	strace $0x9FFFFFFF  }
0xc4: {  	(tm) =	ssettm $0x7FFFFFFF  }
0xc5: {  	_ =	shalt  }
tec
execute0_lowered:
.L_overlay_start_1:
0x0: {  	(tag) =	ssettag $0x1  }
0x1: {  	s1 =	rddreg [dreg:$0x0]  }
0x2: {  	s7 =	rddreg [dreg:$0x1]  }
0x3: {  	s4 =	rddreg [dreg:$0x2]  }
0x4: {  	s0 =	rddreg [dreg:$0x3];
	s5 =	srdreg.scid  }
0x5: {  	s2 =	stileid.u32;
	s3 =	simm.s32 $0x0;
	s13 =	simm.s32 $0x1000  }
0x6: {  	s14 =	simm.s32 $0x480;
	s15 =	simm.s32 $0x1;
	s16 =	simm.s32 $0x10480  }
0x7: {  	s17 =	simm.s32 $0x10880;
	s6 =	sand.u32 $0x1, s5;
	s28 =	sshll.u32 s2, $0x1  }
0x8: {  	s18 =	simm.s32 $0x0;
	[smem:$0x7FF] =	sst s3;
	s8 =	sor.u32 s6, s28  }
0x9: {  	_ =	strace $0x80000047;
	s9 =	ssub.s32 $0x2, s6;
	s6 =	sshll.u32 s6, $0xA  }
0xa: {  	s5 =	sshll.u32 s8, $0x7;
	s29 =	sshrl.u32 s9, $0x1;
	s30 =	sshll.u32 s8, $0xA  }
0xb: {  	s12 =	sadd.s32 $0xFFFFFFFF, s8;
	p0 =	seq.s32 s8, $0x1F;
	s31 =	sshll.u32 s8, $0x10  }
0xc: {  	s10 =	sadd.s32 s5, s4;
	s11 =	ssub.s32 s9, s29;
	s4 =	sadd.s32 $0xF7F, s1  }
0xd: {  	s5 =	sadd.s32 $0xFFFFFFF8, s30;
	p2 =	sne.s32 @!p0 s8, $0x0;
	s7 =	sadd.s32 s7, s31  }
0xe: {  	v8 =	vlaneseq.u32;
	s5 =	sshrl.u32 s5, $0x3;
	p1 =	por !p2, p0;
	s8 =	sadd.s32 $0x8000, s7  }
0xf: {  	v1 =	vimm.f32 $2.500000040e-02;
	v2 =	vimm.f32 $0.0e+00;
	v4 =	vimm.f32 $1.000000000e+00;
	s9 =	sadd.s32 $0x1000, s10;
	s10 =	sadd.s32 $0x2000, s10;
	p1 =	sgt.u32 @!p1 s12, $0x1D  }
0x10: {  	v3 =	vmul.u32 $0x80, v8;
	v5 =	vadd.s32 $0xFFFFFFFE, v8;
	v6 =	vadd.s32 $0xFFFFFFFF, v8;
	s11 =	smax.u32 s11, $0x1;
	s5 =	sadd.s32 s1, s5;
	p1 =	por @!p0 p1, !p2  }
0x11: {  	v7 =	vadd.s32 $0x1, v8;
	v0 =	vor.u32 s6, v8;
	v8 =	vadd.s32 $0x2, v8;
	s12 =	simm.s32 $0x400;
	p2 =	por p2, p0;
	p1 =	por p1, p0  }
.LBB2_1:
0x12: {  	s19 =	simm.s32 @p0 $0x0  }
0x13: {  	[tilespmem:s19], [sflag:$0x1] =	stream.linear.gather @p0 [hbm4b:s4+s19], $0x408, $0x38;
	[tilespmem:$0x10C80] =	vst v63  }
0x14: {  	s19 =	simm.s32 @p0 $0x1  }
0x15: {  	_ =	swait.ge @p0 [sflag:s19], $0x408  }
0x16: {  	[sflag:s19] =	ssyncset.done @p0 $0x0  }
0x17: {  	[sflag:s19] =	ssyncadd.s32 @p0 $0xFFFFFBF8;
	s19 =	simm.s32 @!p1 $0x0  }
0x18: {  	[tilespmem:s19], [sflag:$0x1] =	stream.linear.gather @!p1 [hbm4b:s5+s19], $0x410, $0x38;
	[tilespmem:$0x10C80] =	vst v63  }
0x19: {  	s19 =	simm.s32 @!p1 $0x1  }
0x1a: {  	_ =	swait.ge @!p1 [sflag:s19], $0x410  }
0x1b: {  	[sflag:s19] =	ssyncset.done @!p1 $0x0  }
0x1c: {  	s20 =	simm.s32 @!p2 $0x8;
	[sflag:s19] =	ssyncadd.s32 @!p1 $0xFFFFFBF0;
	s19 =	simm.s32 @!p2 $0x0  }
0x1d: {  	[tilespmem:s20], [sflag:$0x1] =	stream.linear.gather @!p2 [hbm4b:s1+s19], $0x408, $0x38;
	[tilespmem:$0x10C80] =	vst v63  }
0x1e: {  	s19 =	simm.s32 @!p2 $0x1  }
0x1f: {  	_ =	swait.ge @!p2 [sflag:s19], $0x408  }
0x20: {  	[sflag:s19] =	ssyncset.done @!p2 $0x0  }
0x21: {  	[sflag:s19] =	ssyncadd.s32 @!p2 $0xFFFFFBF8  }
0x22: {  	[tilespmem:s14], [sflag:$0x1] =	stream.strided.gather [hbm4b:s7+s12], $0x10000, s13, s12, $0x38;
	[tilespmem:$0x10C80] =	vst v63  }
0x23: {  	_ =	swait.ge [sflag:s15], $0x10000  }
0x24: {  	v10 =	vor.u32 s3, v0;
	[sflag:s15] =	ssyncset.done $0x0  }
0x25: {  	s30 =	simm.s32 $0xA;
	v9 =	vmov s3;
	v11 =	vadd.s32 $0x1, v10;
	[sflag:s15] =	ssyncadd.s32 $0xFFFF0000  }
0x26: {  	v12 =	vadd.s32 $0x2, v10;
	vm1 =	veq.s32 v10, $0x0;
	v14 =	vshll.u32 v9, $0x7;
	v13 =	vld [tilespmem:s30+$0xFFFFFFFC]  }
0x27: {  	vm9 =	vlt.u32 v10, $0x7FF;
	vm8 =	vlt.u32 v10, $0x7FE;
	v16 =	vadd.s32 $0xFFFFFFFE, v10;
	v15 =	vld [tilespmem:s30+$0xFFFFFFFD]  }
0x28: {  	v10 =	vadd.s32 $0xFFFFFFFF, v10;
	vm10 =	vlt.u32 v9, $0x800;
	vm2 =	veq.s32 v11, $0x7FE;
	v9 =	vld [tilespmem:s30+$0xFFFFFFFE]  }
0x29: {  	vm0 =	veq.s32 v12, $0x7FE;
	vm3 =	veq.s32 v10, $0x1;
	vm6 =	vlt.u32 v16, $0x800;
	v17 =	vld [tilespmem:s30+$0xFFFFFFFF]  }
0x2a: {  	vm4 =	veq.s32 v16, $0x0;
	vm5 =	veq.s32 v16, $0x7FF;
	vm7 =	veq.s32 v16, $0x7FE  }
0x2b: {  	vm11 =	vlt.u32 v10, $0x800;
	v14 =	vor.u32 v3, v14;
	vm4 =	vmor vm4, vm5  }
0x2c: {  	vm1 =	vmor vm1, vm2;
	v13 =	vnsel vm6, $0xFFFFFFFF, v13;
	vm6 =	veq.s32 v16, $0x1  }
0x2d: {  	v15 =	vnsel vm11, $0xFFFFFFFF, v15;
	v9 =	vnsel vm10, $0xFFFFFFFF, v9;
	v16 =	vand.u32 $0xFFFFFFF1, v13  }
0x2e: {  	v17 =	vnsel vm9, $0xFFFFFFFF, v17;
	vm10 =	vne.s32 v15, v13;
	vm11 =	veq.s32 v16, $0x1;
	v16 =	vld [tilespmem:s30+$0x0]  }
0x2f: {  	v18 =	vand.u32 $0xFFFFFFF1, v15;
	vm12 =	vne.s32 v9, v13;
	vm9 =	vne.s32 v9, v15  }
0x30: {  	vm14 =	vne.s32 v17, v15;
	vm15 =	vne.s32 v17, v9;
	vm6 =	vmor vm6, vm7  }
0x31: {  	vm13 =	veq.s32 v18, $0x1;
	v18 =	vand.u32 $0xFFFFFFF1, v9;
	vm10 =	vmand vm10, vm12  }
0x32: {  	vm12 =	vne.s32 v17, v13;
	vm10 =	vmand vm10, vm11;
	vm11 =	veq.s32 v18, $0x1  }
0x33: {  	v18 =	vand.u32 $0xFFFFFFF1, v17;
	v16 =	vnsel vm8, $0xFFFFFFFF, v16;
	vm8 =	vmand vm9, vm14  }
0x34: {  	vm9 =	vmand vm10, vm12;
	vm14 =	veq.s32 v18, $0x1;
	vm10 =	vne.s32 v16, v13  }
0x35: {  	vm8 =	vmand vm8, vm13;
	vm13 =	veq.s32 v10, $0x7FE;
	vm12 =	vmand vm9, vm10  }
0x36: {  	vm9 =	vne.s32 v16, v15;
	vm10 =	vne.s32 v16, v9;
	v13 =	vnsel vm12, $0x0, v13  }
0x37: {  	vm8 =	vmand vm8, vm9;
	vm9 =	vmand vm15, vm10;
	v18 =	vand.u32 $0xFFFFFF80, v13  }
0x38: {  	v13 =	vand.u32 $0x7F, v13;
	v15 =	vnsel vm8, $0x0, v15;
	v18 =	vadd.s32 v14, v18  }
0x39: {  	vm9 =	vmand vm9, vm11;
	v13 =	vor.u32 v13, v18;
	v18 =	vand.u32 $0xFFFFFF80, v15  }
0x3a: {  	v19 =	vnsel vm9, $0x0, v9;
	v15 =	vand.u32 $0x7F, v15;
	v18 =	vadd.s32 v14, v18  }
0x3b: {  	vm10 =	vne.s32 v16, v17;
	v15 =	vor.u32 v15, v18;
	v18 =	vand.u32 $0xFFFFFF80, v19  }
0x3c: {  	vm10 =	vmand vm14, vm10;
	v19 =	vand.u32 $0x7F, v19;
	v18 =	vadd.s32 v14, v18  }
0x3d: {  	v17 =	vnsel vm10, $0x0, v17;
	v18 =	vor.u32 v19, v18;
	v19 =	vand.u32 $0xFFFFFFF1, v16  }
0x3e: {  	vm3 =	vmor vm3, vm13;
	vm11 =	veq.s32 v19, $0x1;
	v19 =	vand.u32 $0xFFFFFF80, v17  }
0x3f: {  	v17 =	vand.u32 $0x7F, v17;
	v13 =	vld.idx.msk [tilespmem:v13+s14+$0x0], $0xffff;
	v19 =	vadd.s32 v14, v19;
	v16 =	vnsel vm11, $0x0, v16  }
0x40: {  	vm14 =	veq.s32 v10, $0x0;
	v17 =	vor.u32 v17, v19;
	v19 =	vand.u32 $0xFFFFFF80, v16  }
0x41: {  	v16 =	vand.u32 $0x7F, v16;
	v15 =	vld.idx.msk [tilespmem:v15+s14+$0x0], $0xffff;
	v14 =	vadd.s32 v14, v19;
	v19 =	vsel vm6, $0x3D088889, v1  }
0x42: {  	v14 =	vor.u32 v16, v14;
	v16 =	vsel vm4, $0x3D4CCCCD, v19;
	vm4 =	veq.s32 v10, $0x7FF  }
0x43: {  	v10 =	vld.idx.msk [tilespmem:v18+s14+$0x0], $0xffff;
	v18 =	vsel vm3, $0x3D088889, v1;
	v16 =	vnsel vm12, $0x0, v16;
	vm3 =	vmor vm14, vm4  }
0x44: {  	vm4 =	veq.s32 v12, $0x7FF;
	v12 =	vmul.f32 v16, v13;
	v13 =	vsel vm3, $0x3D4CCCCD, v18  }
0x45: {  	v19 =	vsel vm1, $0x3D088889, v1;
	v17 =	vld.idx.msk [tilespmem:v17+s14+$0x0], $0xffff;
	v13 =	vnsel vm8, $0x0, v13  }
0x46: {  	vm1 =	veq.s32 v11, $0x7FF;
	v12 =	vadd.f32 $0.0e+00, v12;
	v15 =	vmul.f32 v13, v15  }
0x47: {  	v18 =	vand.u32 $0x1, v9;
	v11 =	vadd.f32 v13, v16;
	v13 =	vld.idx.msk [tilespmem:v14+s14+$0x0], $0xffff;
	v14 =	vsel vm9, $0x3F666666, v2  }
0x48: {  	v16 =	vsel vm1, $0x3D4CCCCD, v19;
	v12 =	vadd.f32 v12, v15;
	v10 =	vmul.f32 v14, v10  }
0x49: {  	v15 =	vsel vm0, $0x3D088889, v1;
	v11 =	vadd.f32 v11, v14;
	v14 =	vnsel vm10, $0x0, v16  }
0x4a: {  	v15 =	vsel vm4, $0x3D4CCCCD, v15;
	v10 =	vadd.f32 v12, v10;
	v12 =	vmul.f32 v17, v14  }
0x4b: {  	vm0 =	vlt.s32 v9, $0x10;
	v9 =	vadd.f32 v11, v14;
	v11 =	vnsel vm11, $0x0, v15  }
0x4c: {  	vm1 =	veq.s32 v18, $0x1;
	v10 =	vadd.f32 v10, v12;
	v12 =	vmul.f32 v13, v11  }
0x4d: {  	vm0 =	vmand vm0, vm1;
	v9 =	vadd.f32 v9, v11  }
0x4e: {  	s31 =	simm.s32 $0x10;
	v11 =	vsel vm0, $0x0, v4;
	v10 =	vadd.f32 v10, v12  }
0x4f: {  	v13 =	vor.u32 s31, v0;
	v11 =	vadd.f32 v9, v11  }
0x50: {  	v14 =	vadd.s32 $0x2, v13;
	vm0 =	veq.s32 v13, $0x0;
	vm10 =	vlt.u32 v13, $0x7FF;
	[tilespmem:s16+$0x0] =	vst v10  }
0x51: {  	s21 =	simm.s32 $0x1A;
	vm9 =	vlt.u32 v13, $0x7FE;
	v17 =	vadd.s32 $0xFFFFFFFE, v13;
	v12 =	vmov s31;
	[tilespmem:s17+$0x0] =	vst v11  }
0x52: {  	v9 =	vadd.s32 $0x1, v13;
	vm2 =	veq.s32 v14, $0x7FE;
	vm15 =	veq.s32 v14, $0x7FF;
	v16 =	vld [tilespmem:s21+$0xFFFFFFFC]  }
0x53: {  	vm11 =	vlt.u32 v17, $0x800;
	vm7 =	veq.s32 v17, $0x0;
	v10 =	vimm.s32 $0x0  }
0x54: {  	vm8 =	veq.s32 v17, $0x7FF;
	vm13 =	veq.s32 v17, $0x7FE;
	v10 =	vsel vm0, $0xFFFFFFFF, v10  }
0x55: {  	vm12 =	vlt.u32 v12, $0x800;
	v11 =	vshll.u32 v12, $0x7;
	[tilespmem:$0x1FFF0] =	vst v10;
	v10 =	vadd.s32 $0xFFFFFFFF, v13  }
0x56: {  	vm3 =	veq.s32 v9, $0x7FE;
	v14 =	vld [tilespmem:s21+$0xFFFFFFFD];
	v11 =	vor.u32 v3, v11;
	vm5 =	veq.s32 v10, $0x1  }
0x57: {  	v15 =	vld [tilespmem:s21+$0xFFFFFFFE];
	vm6 =	veq.s32 v10, $0x7FE;
	vm4 =	veq.s32 v10, $0x0;
	v12 =	vnsel vm11, $0xFFFFFFFF, v16  }
0x58: {  	s22 =	simm.s32 $0x20;
	s20 =	simm.s32 $0x10480;
	s19 =	simm.s32 $0x10880;
	v13 =	vld [tilespmem:s21+$0xFFFFFFFF];
	vm14 =	vlt.u32 v10, $0x800;
	vm11 =	veq.s32 v17, $0x1;
	v16 =	vand.u32 $0xFFFFFFF1, v12  }
.LBB2_2:
0x59: {  	_ =	sdelay $0x1  }
0x5a: {  	v17 =	vimm.s32 $0x0;
	vm11 =	vmor vm11, vm13  }
0x5b: {  	v17 =	vsel vm15, $0xFFFFFFFF, v17;
	v14 =	vnsel vm14, $0xFFFFFFFF, v14;
	vm14 =	veq.s32 v16, $0x1  }
0x5c: {  	v15 =	vnsel vm12, $0xFFFFFFFF, v15;
	v16 =	vld [tilespmem:s21+$0x0];
	v13 =	vnsel vm10, $0xFFFFFFFF, v13;
	vm12 =	vne.s32 v14, v12  }
0x5d: {  	[tilespmem:$0x1FFE0] =	vst v17;
	v17 =	vand.u32 $0xFFFFFFF1, v14;
	vm13 =	vne.s32 v15, v12;
	vm0 =	vne.s32 v13, v14  }
0x5e: {  	vm1 =	vne.s32 v13, v15;
	vm15 =	veq.s32 v17, $0x1;
	vm10 =	vmand vm12, vm13  }
0x5f: {  	v17 =	vand.u32 $0xFFFFFFF1, v15;
	vm13 =	vne.s32 v15, v14;
	vm10 =	vmand vm10, vm14  }
0x60: {  	vm12 =	veq.s32 v17, $0x1;
	v17 =	vand.u32 $0xFFFFFFF1, v13;
	vm14 =	vne.s32 v13, v12  }
0x61: {  	vm0 =	vmand vm13, vm0;
	vm13 =	veq.s32 v17, $0x1;
	v16 =	vnsel vm9, $0xFFFFFFFF, v16  }
0x62: {  	vm0 =	vmand vm0, vm15;
	vm9 =	vmand vm10, vm14;
	vm10 =	vne.s32 v16, v12  }
0x63: {  	vm14 =	vne.s32 v16, v13;
	v17 =	vand.u32 $0xFFFFFFF1, v16;
	vm9 =	vmand vm9, vm10  }
0x64: {  	vm15 =	vne.s32 v16, v15;
	vm10 =	vne.s32 v16, v14;
	v12 =	vnsel vm9, $0x0, v12  }
0x65: {  	vm10 =	vmand vm0, vm10;
	vm0 =	vmand vm1, vm15;
	v18 =	vand.u32 $0xFFFFFF80, v12  }
0x66: {  	v12 =	vand.u32 $0x7F, v12;
	v14 =	vnsel vm10, $0x0, v14;
	v18 =	vadd.s32 v11, v18  }
0x67: {  	vm12 =	vmand vm0, vm12;
	v12 =	vor.u32 v12, v18;
	v18 =	vand.u32 $0xFFFFFF80, v14  }
0x68: {  	v19 =	vnsel vm12, $0x0, v15;
	v14 =	vand.u32 $0x7F, v14;
	v18 =	vadd.s32 v11, v18  }
0x69: {  	vm13 =	vmand vm13, vm14;
	v14 =	vor.u32 v14, v18;
	v18 =	vand.u32 $0xFFFFFF80, v19  }
0x6a: {  	v13 =	vnsel vm13, $0x0, v13;
	v19 =	vand.u32 $0x7F, v19;
	v18 =	vadd.s32 v11, v18  }
0x6b: {  	vm14 =	veq.s32 v17, $0x1;
	v18 =	vor.u32 v19, v18;
	v19 =	vand.u32 $0xFFFFFF80, v13  }
0x6c: {  	v16 =	vnsel vm14, $0x0, v16;
	v13 =	vand.u32 $0x7F, v13;
	v17 =	vadd.s32 v11, v19  }
0x6d: {  	v13 =	vor.u32 v13, v17;
	v17 =	vand.u32 $0xFFFFFF80, v16  }
0x6e: {  	v11 =	vadd.s32 v11, v17;
	v17 =	vld [tilespmem:$0x1FFF0]  }
0x6f: {  	vm15 =	vlt.s32 v15, $0x10;
	vm1 =	veq.s32 v10, $0x7FF;
	vm0 =	vmor vm7, vm8;
	v12 =	vld.idx.msk [tilespmem:v12+s14+$0x0], $0xffff  }
0x70: {  	v19 =	vand.u32 $0x1, v15;
	v15 =	vand.u32 $0x7F, v16;
	v16 =	vsel vm11, $0x3D088889, v1  }
0x71: {  	v14 =	vld.idx.msk [tilespmem:v14+s14+$0x0], $0xffff;
	v11 =	vor.u32 v15, v11;
	v15 =	vsel vm0, $0x3D4CCCCD, v16;
	vm0 =	vmor vm5, vm6  }
0x72: {  	v16 =	vsel vm0, $0x3D088889, v1;
	vm0 =	vmor vm4, vm1  }
0x73: {  	v10 =	vld.idx.msk [tilespmem:v18+s14+$0x0], $0xffff;
	v15 =	vnsel vm9, $0x0, v15;
	v16 =	vsel vm0, $0x3D4CCCCD, v16;
	vm0 =	vnez.u8 v17  }
0x74: {  	v12 =	vmul.f32 v15, v12;
	vm0 =	vmor vm0, vm3  }
0x75: {  	v16 =	vnsel vm10, $0x0, v16;
	v17 =	vsel vm0, $0x3D088889, v1;
	vm0 =	veq.s32 v9, $0x7FF  }
0x76: {  	v9 =	vadd.f32 $0.0e+00, v12;
	v12 =	vmul.f32 v16, v14;
	v14 =	vadd.f32 v16, v15  }
0x77: {  	v15 =	vsel vm12, $0x3F666666, v2  }
0x78: {  	v10 =	vmul.f32 v15, v10;
	v9 =	vadd.f32 v9, v12;
	v12 =	vadd.f32 v14, v15;
	v15 =	vld [tilespmem:$0x1FFE0]  }
0x79: {  	v13 =	vld.idx.msk [tilespmem:v13+s14+$0x0], $0xffff;
	_ =	sdelay $0x1  }
0x7a: {  	v11 =	vld.idx.msk [tilespmem:v11+s14+$0x0], $0xffff  }
0x7b: {  	v16 =	vsel vm0, $0x3D4CCCCD, v17  }
0x7c: {  	v17 =	vsel vm2, $0x3D088889, v1;
	v14 =	vnsel vm13, $0x0, v16;
	vm0 =	vnez.u8 v15  }
0x7d: {  	v9 =	vadd.f32 v9, v10;
	v10 =	vmul.f32 v13, v14;
	v15 =	vsel vm0, $0x3D4CCCCD, v17  }
0x7e: {  	v12 =	vadd.f32 v12, v14;
	v13 =	vnsel vm14, $0x0, v15  }
0x7f: {  	v9 =	vadd.f32 v9, v10;
	vm0 =	veq.s32 v19, $0x1;
	v10 =	vmul.f32 v11, v13  }
0x80: {  	vm0 =	vmand vm15, vm0;
	v11 =	vadd.f32 v12, v13  }
0x81: {  	v9 =	vadd.f32 v9, v10;
	v10 =	vsel vm0, $0x0, v4  }
0x82: {  	s20 =	sadd.s32 $0x10, s20;
	v12 =	vor.u32 s22, v0;
	v10 =	vadd.f32 v11, v10  }
0x83: {  	s19 =	sadd.s32 $0x10, s19;
	v14 =	vimm.s32 $0x0;
	v13 =	vadd.s32 $0x2, v12;
	vm10 =	vlt.u32 v12, $0x7FF;
	[tilespmem:s20+$0x0] =	vst v9  }
0x84: {  	s21 =	sadd.s32 $0x10, s21;
	vm9 =	vlt.u32 v12, $0x7FE;
	v18 =	vadd.s32 $0xFFFFFFFE, v12;
	vm0 =	veq.s32 v12, $0x0;
	[tilespmem:s19+$0x0] =	vst v10  }
0x85: {  	vm2 =	veq.s32 v13, $0x7FE;
	vm15 =	veq.s32 v13, $0x7FF;
	vm7 =	veq.s32 v18, $0x0;
	v16 =	vld [tilespmem:s21+$0xFFFFFFFC]  }
0x86: {  	p3 =	sne.s32 s22, $0x1F0;
	vm8 =	veq.s32 v18, $0x7FF;
	vm11 =	veq.s32 v18, $0x1;
	vm13 =	veq.s32 v18, $0x7FE  }
.Ltmp0:
0x87: {  	v11 =	vmov s22;
	v14 =	vsel vm0, $0xFFFFFFFF, v14;
	vm0 =	vlt.u32 v18, $0x800;
	(pc) =	sbr.rel @p3 .LBB2_2-.Ltmp0, $4  }
0x88: {  	v9 =	vadd.s32 $0x1, v12;
	v17 =	vshll.u32 v11, $0x7;
	vm12 =	vlt.u32 v11, $0x800  }
0x89: {  	[tilespmem:$0x1FFF0] =	vst v14;
	v10 =	vadd.s32 $0xFFFFFFFF, v12;
	vm3 =	veq.s32 v9, $0x7FE;
	v11 =	vor.u32 v3, v17;
	v14 =	vld [tilespmem:s21+$0xFFFFFFFD]  }
0x8a: {  	v15 =	vld [tilespmem:s21+$0xFFFFFFFE];
	vm5 =	veq.s32 v10, $0x1;
	vm6 =	veq.s32 v10, $0x7FE;
	v12 =	vnsel vm0, $0xFFFFFFFF, v16  }
0x8b: {  	s22 =	sadd.s32 $0x10, s22;
	vm4 =	veq.s32 v10, $0x0;
	v13 =	vld [tilespmem:s21+$0xFFFFFFFF];
	vm14 =	vlt.u32 v10, $0x800;
	v16 =	vand.u32 $0xFFFFFFF1, v12  }
0x8c: {  	_ = 	snop  }
0x8d: {  	v17 =	vld [tilespmem:s21+$0x0]  }
0x8e: {  	vm0 =	veq.s32 v16, $0x1;
	v14 =	vnsel vm14, $0xFFFFFFFF, v14  }
0x8f: {  	vm11 =	vmor vm11, vm13;
	v15 =	vnsel vm12, $0xFFFFFFFF, v15;
	vm1 =	vne.s32 v14, v12  }
0x90: {  	v16 =	vand.u32 $0xFFFFFFF1, v14;
	vm12 =	vne.s32 v15, v12;
	v13 =	vnsel vm10, $0xFFFFFFFF, v13  }
0x91: {  	vm10 =	vne.s32 v15, v14;
	vm1 =	vmand vm1, vm12;
	vm12 =	veq.s32 v16, $0x1  }
0x92: {  	v16 =	vand.u32 $0xFFFFFFF1, v15;
	v17 =	vnsel vm9, $0xFFFFFFFF, v17;
	vm9 =	vne.s32 v13, v14  }
0x93: {  	vm14 =	vne.s32 v13, v15;
	vm0 =	vmand vm1, vm0;
	vm1 =	vne.s32 v13, v12  }
0x94: {  	vm9 =	vmand vm10, vm9;
	vm0 =	vmand vm0, vm1;
	vm1 =	vne.s32 v17, v12  }
0x95: {  	vm10 =	vne.s32 v17, v14;
	vm9 =	vmand vm9, vm12;
	vm13 =	vmand vm0, vm1  }
0x96: {  	vm0 =	vne.s32 v17, v15;
	vm1 =	veq.s32 v16, $0x1;
	v16 =	vand.u32 $0xFFFFFFF1, v13  }
0x97: {  	vm10 =	vmand vm9, vm10;
	vm0 =	vmand vm14, vm0;
	vm12 =	veq.s32 v16, $0x1  }
0x98: {  	v12 =	vnsel vm13, $0x0, v12;
	v14 =	vnsel vm10, $0x0, v14;
	vm9 =	vmand vm0, vm1  }
0x99: {  	vm0 =	vne.s32 v17, v13;
	v16 =	vand.u32 $0xFFFFFF80, v12;
	v12 =	vand.u32 $0x7F, v12  }
0x9a: {  	v18 =	vand.u32 $0xFFFFFF80, v14;
	v14 =	vand.u32 $0x7F, v14;
	v16 =	vadd.s32 v11, v16  }
0x9b: {  	v19 =	vnsel vm9, $0x0, v15;
	vm14 =	vmand vm12, vm0;
	v12 =	vor.u32 v12, v16  }
0x9c: {  	v16 =	vadd.s32 v11, v18;
	v18 =	vand.u32 $0xFFFFFFF1, v17;
	v13 =	vnsel vm14, $0x0, v13  }
0x9d: {  	v14 =	vor.u32 v14, v16;
	v16 =	vand.u32 $0xFFFFFF80, v19;
	vm12 =	veq.s32 v18, $0x1  }
0x9e: {  	v19 =	vand.u32 $0x7F, v19;
	v16 =	vadd.s32 v11, v16;
	v17 =	vnsel vm12, $0x0, v17  }
0x9f: {  	v18 =	vand.u32 $0xFFFFFF80, v13;
	v16 =	vor.u32 v19, v16;
	v19 =	vand.u32 $0xFFFFFF80, v17  }
0xa0: {  	v18 =	vadd.s32 v11, v18;
	v11 =	vadd.s32 v11, v19;
	v19 =	vld [tilespmem:$0x1FFF0]  }
0xa1: {  	v13 =	vand.u32 $0x7F, v13;
	v12 =	vld.idx.msk [tilespmem:v12+s14+$0x0], $0xffff  }
0xa2: {  	vm1 =	veq.s32 v10, $0x7FF;
	v13 =	vor.u32 v13, v18  }
0xa3: {  	vm0 =	vmor vm7, vm8;
	v17 =	vand.u32 $0x7F, v17;
	v18 =	vsel vm11, $0x3D088889, v1;
	v14 =	vld.idx.msk [tilespmem:v14+s14+$0x0], $0xffff  }
0xa4: {  	v11 =	vor.u32 v17, v11;
	v17 =	vsel vm0, $0x3D4CCCCD, v18;
	vm0 =	vmor vm5, vm6  }
0xa5: {  	v10 =	vld.idx.msk [tilespmem:v16+s14+$0x0], $0xffff;
	v16 =	vnsel vm13, $0x0, v17;
	v17 =	vsel vm0, $0x3D088889, v1;
	vm0 =	vmor vm4, vm1  }
0xa6: {  	v17 =	vsel vm0, $0x3D4CCCCD, v17;
	vm0 =	vnez.u8 v19;
	v12 =	vmul.f32 v16, v12  }
0xa7: {  	v18 =	vand.u32 $0x1, v15;
	v13 =	vld.idx.msk [tilespmem:v13+s14+$0x0], $0xffff;
	vm0 =	vmor vm0, vm3;
	v17 =	vnsel vm10, $0x0, v17  }
0xa8: {  	v19 =	vsel vm0, $0x3D088889, v1;
	v14 =	vmul.f32 v17, v14;
	v12 =	vadd.f32 $0.0e+00, v12  }
0xa9: {  	v11 =	vld.idx.msk [tilespmem:v11+s14+$0x0], $0xffff;
	vm0 =	veq.s32 v9, $0x7FF;
	v9 =	vadd.f32 v17, v16;
	v16 =	vsel vm9, $0x3F666666, v2  }
0xaa: {  	v17 =	vsel vm0, $0x3D4CCCCD, v19;
	v10 =	vmul.f32 v16, v10;
	v12 =	vadd.f32 v12, v14  }
0xab: {  	v9 =	vadd.f32 v9, v16;
	v16 =	vnsel vm14, $0x0, v17;
	v14 =	vsel vm2, $0x3D088889, v1  }
0xac: {  	v14 =	vsel vm15, $0x3D4CCCCD, v14;
	v10 =	vadd.f32 v12, v10;
	v12 =	vmul.f32 v13, v16  }
0xad: {  	vm1 =	veq.s32 v18, $0x1;
	v9 =	vadd.f32 v9, v16;
	v13 =	vnsel vm12, $0x0, v14  }
0xae: {  	vm0 =	vlt.s32 v15, $0x10;
	v11 =	vmul.f32 v11, v13;
	v10 =	vadd.f32 v10, v12  }
0xaf: {  	vm0 =	vmand vm0, vm1;
	v9 =	vadd.f32 v9, v13  }
0xb0: {  	v10 =	vadd.f32 v10, v11;
	v11 =	vsel vm0, $0x0, v4  }
0xb1: {  	s20 =	sadd.s32 $0x10, s20;
	v9 =	vadd.f32 v9, v11  }
0xb2: {  	s19 =	sadd.s32 $0x10, s19;
	[tilespmem:s20+$0x0] =	vst v10  }
0xb3: {  	[tilespmem:s19+$0x0] =	vst v9  }
0xb4: {  	[tilespmem:s14], [sflag:$0x1] =	stream.strided.gather [hbm4b:s8+s12], $0x10000, s13, s12, $0x38;
	[tilespmem:$0x10C80] =	vst v63  }
0xb5: {  	s29 =	simm.s32 $0x200;
	_ =	swait.ge [sflag:s15], $0x10000  }
0xb6: {  	s26 =	simm.s32 $0x0;
	s20 =	sor.u32 s6, s29;
	[sflag:s15] =	ssyncset.done $0x0  }
0xb7: {  	s28 =	simm.s32 $0x20A;
	v9 =	vmov s26;
	v11 =	vmov s20;
	v12 =	vadd.s32 s20, v7;
	[sflag:s15] =	ssyncadd.s32 $0xFFFF0000  }
0xb8: {  	v13 =	vadd.s32 s20, v8;
	v15 =	vadd.s32 s20, v5;
	v16 =	vadd.s32 s20, v6;
	v10 =	vld [tilespmem:s28+$0xFFFFFFFC]  }
0xb9: {  	v9 =	vshll.u32 v9, $0x7;
	vm0 =	veq.s32 v13, $0x7FF;
	vm1 =	veq.s32 v16, $0x1;
	v14 =	vld [tilespmem:s28+$0xFFFFFFFD]  }
0xba: {  	vm2 =	veq.s32 v15, $0x0;
	vm3 =	veq.s32 v15, $0x7FF;
	vm6 =	vlt.u32 v15, $0x800;
	v17 =	vld [tilespmem:s28+$0xFFFFFFFE]  }
0xbb: {  	vm4 =	veq.s32 v15, $0x1;
	vm5 =	veq.s32 v15, $0x7FE;
	vm7 =	vlt.u32 v13, $0x800;
	v15 =	vld [tilespmem:s28+$0xFFFFFFFF]  }
0xbc: {  	vm8 =	vlt.u32 v16, $0x800;
	vm9 =	vlt.u32 v11, $0x800;
	v9 =	vor.u32 v3, v9  }
0xbd: {  	vm4 =	vmor vm4, vm5;
	vm2 =	vmor vm2, vm3;
	v10 =	vnsel vm6, $0xFFFFFFFF, v10  }
0xbe: {  	vm6 =	vlt.u32 v12, $0x800;
	v14 =	vnsel vm8, $0xFFFFFFFF, v14;
	v11 =	vand.u32 $0xFFFFFFF1, v10  }
0xbf: {  	v18 =	vand.u32 $0xFFFFFFF1, v14;
	vm8 =	veq.s32 v11, $0x1;
	v11 =	vnsel vm9, $0xFFFFFFFF, v17;
	v17 =	vld [tilespmem:s28+$0x0]  }
0xc0: {  	v15 =	vnsel vm6, $0xFFFFFFFF, v15;
	vm9 =	vne.s32 v14, v10;
	vm11 =	veq.s32 v18, $0x1  }
0xc1: {  	vm12 =	vne.s32 v15, v14;
	vm10 =	vne.s32 v11, v10;
	v18 =	vand.u32 $0xFFFFFFF1, v11  }
0xc2: {  	vm6 =	vne.s32 v11, v14;
	vm9 =	vmand vm9, vm10;
	vm10 =	vne.s32 v15, v10  }
0xc3: {  	vm6 =	vmand vm6, vm12;
	vm8 =	vmand vm9, vm8;
	vm9 =	veq.s32 v18, $0x1  }
0xc4: {  	v18 =	vand.u32 $0xFFFFFFF1, v15;
	vm6 =	vmand vm6, vm11;
	v17 =	vnsel vm7, $0xFFFFFFFF, v17  }
0xc5: {  	vm8 =	vmand vm8, vm10;
	vm12 =	veq.s32 v18, $0x1;
	vm10 =	vne.s32 v17, v10  }
0xc6: {  	vm7 =	vne.s32 v15, v11;
	vm11 =	vne.s32 v17, v11;
	vm10 =	vmand vm8, vm10  }
0xc7: {  	vm8 =	vne.s32 v17, v14;
	vm7 =	vmand vm7, vm11;
	v10 =	vnsel vm10, $0x0, v10  }
0xc8: {  	vm11 =	veq.s32 v16, $0x0;
	vm6 =	vmand vm6, vm8;
	v18 =	vand.u32 $0xFFFFFF80, v10  }
0xc9: {  	v10 =	vand.u32 $0x7F, v10;
	v14 =	vnsel vm6, $0x0, v14;
	v18 =	vadd.s32 v9, v18  }
0xca: {  	vm7 =	vmand vm7, vm9;
	v10 =	vor.u32 v10, v18;
	v18 =	vand.u32 $0xFFFFFF80, v14  }
0xcb: {  	v19 =	vnsel vm7, $0x0, v11;
	v14 =	vand.u32 $0x7F, v14;
	v18 =	vadd.s32 v9, v18  }
0xcc: {  	vm8 =	vne.s32 v17, v15;
	v14 =	vor.u32 v14, v18;
	v18 =	vand.u32 $0xFFFFFF80, v19  }
0xcd: {  	vm8 =	vmand vm12, vm8;
	v19 =	vand.u32 $0x7F, v19;
	v18 =	vadd.s32 v9, v18  }
0xce: {  	v15 =	vnsel vm8, $0x0, v15;
	v18 =	vor.u32 v19, v18;
	v19 =	vand.u32 $0xFFFFFFF1, v17  }
0xcf: {  	vm12 =	veq.s32 v16, $0x7FE;
	vm9 =	veq.s32 v19, $0x1;
	v19 =	vand.u32 $0xFFFFFF80, v15  }
0xd0: {  	v15 =	vand.u32 $0x7F, v15;
	v10 =	vld.idx.msk [tilespmem:v10+s14+$0x0], $0xffff;
	v19 =	vadd.s32 v9, v19;
	v17 =	vnsel vm9, $0x0, v17  }
0xd1: {  	vm1 =	vmor vm1, vm12;
	v15 =	vor.u32 v15, v19;
	v19 =	vand.u32 $0xFFFFFF80, v17  }
0xd2: {  	v17 =	vand.u32 $0x7F, v17;
	v14 =	vld.idx.msk [tilespmem:v14+s14+$0x0], $0xffff;
	v9 =	vadd.s32 v9, v19;
	v19 =	vsel vm4, $0x3D088889, v1  }
0xd3: {  	v9 =	vor.u32 v17, v9;
	v17 =	vsel vm2, $0x3D4CCCCD, v19;
	vm2 =	veq.s32 v16, $0x7FF  }
0xd4: {  	v16 =	vld.idx.msk [tilespmem:v18+s14+$0x0], $0xffff;
	v18 =	vsel vm1, $0x3D088889, v1;
	v17 =	vnsel vm10, $0x0, v17;
	vm1 =	vmor vm11, vm2  }
0xd5: {  	vm2 =	veq.s32 v13, $0x7FE;
	v10 =	vmul.f32 v17, v10;
	v13 =	vsel vm1, $0x3D4CCCCD, v18  }
0xd6: {  	v18 =	vand.u32 $0x1, v11;
	vm1 =	veq.s32 v12, $0x7FE;
	v15 =	vld.idx.msk [tilespmem:v15+s14+$0x0], $0xffff;
	v13 =	vnsel vm6, $0x0, v13  }
0xd7: {  	v19 =	vsel vm1, $0x3D088889, v1;
	v10 =	vadd.f32 $0.0e+00, v10;
	v14 =	vmul.f32 v13, v14  }
0xd8: {  	vm1 =	veq.s32 v12, $0x7FF;
	v12 =	vadd.f32 v13, v17;
	v13 =	vsel vm7, $0x3F666666, v2;
	v9 =	vld.idx.msk [tilespmem:v9+s14+$0x0], $0xffff  }
0xd9: {  	v17 =	vsel vm1, $0x3D4CCCCD, v19;
	v10 =	vadd.f32 v10, v14;
	v14 =	vmul.f32 v13, v16  }
0xda: {  	v16 =	vsel vm2, $0x3D088889, v1;
	v12 =	vadd.f32 v12, v13;
	v13 =	vnsel vm8, $0x0, v17  }
0xdb: {  	v16 =	vsel vm0, $0x3D4CCCCD, v16;
	v10 =	vadd.f32 v10, v14;
	v14 =	vmul.f32 v15, v13  }
0xdc: {  	vm0 =	vlt.s32 v11, $0x10;
	v11 =	vadd.f32 v12, v13;
	v12 =	vnsel vm9, $0x0, v16  }
0xdd: {  	vm1 =	veq.s32 v18, $0x1;
	v10 =	vadd.f32 v10, v14;
	v9 =	vmul.f32 v9, v12  }
0xde: {  	vm0 =	vmand vm0, vm1;
	v11 =	vadd.f32 v11, v12  }
0xdf: {  	v9 =	vadd.f32 v10, v9;
	v10 =	vsel vm0, $0x0, v4  }
0xe0: {  	s31 =	simm.s32 $0x210;
	s19 =	simm.s32 $0x10680;
	v11 =	vadd.f32 v11, v10  }
0xe1: {  	s30 =	simm.s32 $0x10;
	s22 =	sor.u32 s6, s31;
	s20 =	simm.s32 $0x10A80;
	[tilespmem:s19+$0x0] =	vst v9  }
0xe2: {  	s21 =	simm.s32 $0x21A;
	v16 =	vmov s22;
	v13 =	vadd.s32 s22, v8;
	v12 =	vmov s30;
	[tilespmem:s20+$0x0] =	vst v11  }
0xe3: {  	v15 =	vadd.s32 s22, v5;
	vm1 =	veq.s32 v13, $0x7FE;
	v10 =	vshll.u32 v12, $0x7;
	v12 =	vld [tilespmem:s21+$0xFFFFFFFC]  }
0xe4: {  	vm5 =	veq.s32 v15, $0x0;
	vm6 =	veq.s32 v15, $0x7FF;
	vm8 =	vlt.u32 v15, $0x800  }
0xe5: {  	vm7 =	veq.s32 v15, $0x1;
	vm10 =	veq.s32 v15, $0x7FE;
	vm11 =	vlt.u32 v16, $0x800;
	v14 =	vld [tilespmem:s21+$0xFFFFFFFD]  }
0xe6: {  	vm0 =	veq.s32 v13, $0x7FF;
	v9 =	vadd.s32 s22, v7;
	v11 =	vadd.s32 s22, v6;
	v15 =	vld [tilespmem:s21+$0xFFFFFFFE]  }
0xe7: {  	v10 =	vor.u32 v3, v10;
	vm9 =	vlt.u32 v9, $0x800;
	vm3 =	veq.s32 v11, $0x1  }
0xe8: {  	vm2 =	veq.s32 v11, $0x0;
	v12 =	vnsel vm8, $0xFFFFFFFF, v12;
	vm8 =	vlt.u32 v13, $0x800;
	v13 =	vld [tilespmem:s21+$0xFFFFFFFF]  }
0xe9: {  	s22 =	simm.s32 $0x20;
	vm4 =	veq.s32 v11, $0x7FE;
	vm12 =	vlt.u32 v11, $0x800;
	v16 =	vand.u32 $0xFFFFFFF1, v12  }
.LBB2_4:
0xea: {  	p3 =	sne.s32 s22, $0x1F0;
	v14 =	vnsel vm12, $0xFFFFFFFF, v14;
	vm12 =	veq.s32 v16, $0x1;
	vm7 =	vmor vm7, vm10  }
0xeb: {  	v15 =	vnsel vm11, $0xFFFFFFFF, v15;
	v16 =	vld [tilespmem:s21+$0x0];
	vm10 =	vne.s32 v14, v12;
	v17 =	vand.u32 $0xFFFFFFF1, v14  }
0xec: {  	vm11 =	vne.s32 v15, v12;
	vm13 =	veq.s32 v17, $0x1;
	v17 =	vand.u32 $0xFFFFFFF1, v15  }
0xed: {  	v13 =	vnsel vm9, $0xFFFFFFFF, v13;
	vm9 =	vmand vm10, vm11;
	vm11 =	vne.s32 v15, v14  }
0xee: {  	vm10 =	veq.s32 v17, $0x1;
	vm9 =	vmand vm9, vm12;
	v17 =	vand.u32 $0xFFFFFFF1, v13  }
0xef: {  	vm12 =	vne.s32 v13, v12;
	vm14 =	vne.s32 v13, v14;
	vm15 =	vne.s32 v13, v15  }
0xf0: {  	v16 =	vnsel vm8, $0xFFFFFFFF, v16;
	vm8 =	vmand vm11, vm14;
	vm11 =	veq.s32 v17, $0x1  }
0xf1: {  	vm9 =	vmand vm9, vm12;
	vm12 =	vne.s32 v16, v12;
	vm13 =	vmand vm8, vm13  }
0xf2: {  	v17 =	vand.u32 $0xFFFFFFF1, v16;
	vm8 =	vmand vm9, vm12;
	vm12 =	vne.s32 v16, v13  }
0xf3: {  	vm14 =	vne.s32 v16, v15;
	vm9 =	vne.s32 v16, v14;
	v12 =	vnsel vm8, $0x0, v12  }
0xf4: {  	vm9 =	vmand vm13, vm9;
	vm13 =	vmand vm15, vm14;
	v18 =	vand.u32 $0xFFFFFF80, v12  }
0xf5: {  	v12 =	vand.u32 $0x7F, v12;
	v14 =	vnsel vm9, $0x0, v14;
	v18 =	vadd.s32 v10, v18  }
0xf6: {  	vm10 =	vmand vm13, vm10;
	v12 =	vor.u32 v12, v18;
	v18 =	vand.u32 $0xFFFFFF80, v14  }
0xf7: {  	v19 =	vnsel vm10, $0x0, v15;
	v14 =	vand.u32 $0x7F, v14;
	v18 =	vadd.s32 v10, v18  }
0xf8: {  	vm11 =	vmand vm11, vm12;
	v14 =	vor.u32 v14, v18;
	v18 =	vand.u32 $0xFFFFFF80, v19  }
0xf9: {  	v13 =	vnsel vm11, $0x0, v13;
	v19 =	vand.u32 $0x7F, v19;
	v18 =	vadd.s32 v10, v18  }
0xfa: {  	vm12 =	veq.s32 v17, $0x1;
	v18 =	vor.u32 v19, v18;
	v19 =	vand.u32 $0xFFFFFF80, v13  }
0xfb: {  	v16 =	vnsel vm12, $0x0, v16;
	v13 =	vand.u32 $0x7F, v13;
	v12 =	vld.idx.msk [tilespmem:v12+s14+$0x0], $0xffff;
	v17 =	vadd.s32 v10, v19  }
0xfc: {  	v19 =	vand.u32 $0x1, v15;
	v13 =	vor.u32 v13, v17;
	v17 =	vand.u32 $0xFFFFFF80, v16  }
0xfd: {  	vm13 =	vlt.s32 v15, $0x10;
	v15 =	vand.u32 $0x7F, v16;
	v14 =	vld.idx.msk [tilespmem:v14+s14+$0x0], $0xffff;
	v10 =	vadd.s32 v10, v17  }
0xfe: {  	vm5 =	vmor vm5, vm6;
	v16 =	vsel vm7, $0x3D088889, v1;
	v10 =	vor.u32 v15, v10  }
0xff: {  	vm3 =	vmor vm3, vm4;
	vm4 =	veq.s32 v11, $0x7FF;
	v15 =	vsel vm5, $0x3D4CCCCD, v16;
	v11 =	vld.idx.msk [tilespmem:v18+s14+$0x0], $0xffff  }
0x100: {  	vm2 =	vmor vm2, vm4;
	v16 =	vsel vm3, $0x3D088889, v1;
	v15 =	vnsel vm8, $0x0, v15  }
0x101: {  	v16 =	vsel vm2, $0x3D4CCCCD, v16;
	vm2 =	veq.s32 v9, $0x7FE;
	v12 =	vmul.f32 v15, v12;
	v13 =	vld.idx.msk [tilespmem:v13+s14+$0x0], $0xffff  }
0x102: {  	v16 =	vnsel vm9, $0x0, v16;
	v17 =	vsel vm2, $0x3D088889, v1;
	vm2 =	veq.s32 v9, $0x7FF  }
0x103: {  	v9 =	vadd.f32 $0.0e+00, v12;
	v12 =	vmul.f32 v16, v14;
	v14 =	vadd.f32 v16, v15;
	v10 =	vld.idx.msk [tilespmem:v10+s14+$0x0], $0xffff  }
0x104: {  	v15 =	vsel vm10, $0x3F666666, v2;
	v16 =	vsel vm2, $0x3D4CCCCD, v17;
	v17 =	vsel vm1, $0x3D088889, v1  }
0x105: {  	v9 =	vadd.f32 v9, v12;
	v11 =	vmul.f32 v15, v11;
	v12 =	vadd.f32 v14, v15  }
0x106: {  	v14 =	vnsel vm11, $0x0, v16;
	v15 =	vsel vm0, $0x3D4CCCCD, v17  }
0x107: {  	v9 =	vadd.f32 v9, v11;
	v11 =	vmul.f32 v13, v14;
	v12 =	vadd.f32 v12, v14  }
0x108: {  	vm0 =	veq.s32 v19, $0x1;
	v13 =	vnsel vm12, $0x0, v15  }
0x109: {  	v9 =	vadd.f32 v9, v11;
	v10 =	vmul.f32 v10, v13;
	v11 =	vadd.f32 v12, v13  }
0x10a: {  	vm0 =	vmand vm13, vm0  }
0x10b: {  	v9 =	vadd.f32 v9, v10;
	v10 =	vsel vm0, $0x0, v4  }
0x10c: {  	s19 =	sadd.s32 $0x10, s19;
	v12 =	vmov s22;
	v11 =	vadd.f32 v11, v10  }
0x10d: {  	s23 =	sadd.s32 $0x200, s22;
	s20 =	sadd.s32 $0x10, s20;
	v10 =	vshll.u32 v12, $0x7;
	[tilespmem:s19+$0x0] =	vst v9  }
0x10e: {  	s23 =	sor.u32 s6, s23;
	s21 =	sadd.s32 $0x10, s21;
	v10 =	vor.u32 v3, v10;
	[tilespmem:s20+$0x0] =	vst v11  }
0x10f: {  	v16 =	vmov s23;
	v17 =	vadd.s32 s23, v8;
	v9 =	vadd.s32 s23, v7;
	v12 =	vld [tilespmem:s21+$0xFFFFFFFC]  }
0x110: {  	v13 =	vadd.s32 s23, v5;
	vm0 =	veq.s32 v17, $0x7FF;
	v11 =	vadd.s32 s23, v6  }
.Ltmp1:
0x111: {  	vm1 =	veq.s32 v17, $0x7FE;
	vm3 =	veq.s32 v11, $0x1;
	vm2 =	veq.s32 v11, $0x0;
	v14 =	vld [tilespmem:s21+$0xFFFFFFFD];
	(pc) =	sbr.rel @p3 .LBB2_4-.Ltmp1, $4  }
0x112: {  	vm5 =	veq.s32 v13, $0x0;
	vm6 =	veq.s32 v13, $0x7FF;
	vm4 =	veq.s32 v11, $0x7FE;
	v15 =	vld [tilespmem:s21+$0xFFFFFFFE]  }
0x113: {  	vm8 =	vlt.u32 v13, $0x800;
	vm7 =	veq.s32 v13, $0x1;
	vm10 =	veq.s32 v13, $0x7FE  }
0x114: {  	vm9 =	vlt.u32 v9, $0x800;
	v12 =	vnsel vm8, $0xFFFFFFFF, v12;
	v13 =	vld [tilespmem:s21+$0xFFFFFFFF];
	vm8 =	vlt.u32 v17, $0x800  }
0x115: {  	vm11 =	vlt.u32 v16, $0x800;
	s22 =	sadd.s32 $0x10, s22;
	vm12 =	vlt.u32 v11, $0x800;
	v16 =	vand.u32 $0xFFFFFFF1, v12  }
0x116: {  	v14 =	vnsel vm12, $0xFFFFFFFF, v14  }
0x117: {  	vm12 =	veq.s32 v16, $0x1;
	vm7 =	vmor vm7, vm10;
	vm5 =	vmor vm5, vm6  }
0x118: {  	v44 =	vld [tilespmem:s21+$0x0];
	v15 =	vnsel vm11, $0xFFFFFFFF, v15;
	vm10 =	vne.s32 v14, v12;
	v17 =	vand.u32 $0xFFFFFFF1, v14  }
0x119: {  	vm11 =	vne.s32 v15, v12;
	vm13 =	veq.s32 v17, $0x1;
	v45 =	vand.u32 $0xFFFFFFF1, v15  }
0x11a: {  	vm10 =	vmand vm10, vm11;
	v13 =	vnsel vm9, $0xFFFFFFFF, v13;
	vm9 =	vne.s32 v15, v14  }
0x11b: {  	vm11 =	veq.s32 v45, $0x1;
	vm10 =	vmand vm10, vm12;
	v46 =	vand.u32 $0xFFFFFFF1, v13  }
0x11c: {  	vm12 =	vne.s32 v13, v12;
	vm14 =	vne.s32 v13, v14;
	vm15 =	vne.s32 v13, v15  }
0x11d: {  	v16 =	vnsel vm8, $0xFFFFFFFF, v44;
	vm8 =	vmand vm9, vm14;
	vm9 =	vmand vm10, vm12  }
0x11e: {  	vm14 =	veq.s32 v46, $0x1;
	vm10 =	vne.s32 v16, v12;
	vm8 =	vmand vm8, vm13  }
0x11f: {  	vm13 =	vne.s32 v16, v13;
	v18 =	vand.u32 $0xFFFFFFF1, v16;
	vm12 =	vmand vm9, vm10  }
0x120: {  	vm9 =	vne.s32 v16, v14;
	vm10 =	vne.s32 v16, v15;
	v47 =	vnsel vm12, $0x0, v12  }
0x121: {  	vm9 =	vmand vm8, vm9;
	vm15 =	vmand vm15, vm10;
	v48 =	vand.u32 $0xFFFFFF80, v47  }
0x122: {  	v12 =	vand.u32 $0x7F, v47;
	v14 =	vnsel vm9, $0x0, v14;
	v17 =	vadd.s32 v10, v48  }
0x123: {  	vm10 =	vmand vm15, vm11;
	v49 =	vand.u32 $0xFFFFFF80, v14;
	v12 =	vor.u32 v12, v17  }
0x124: {  	v14 =	vand.u32 $0x7F, v14;
	v19 =	vnsel vm10, $0x0, v15;
	v17 =	vadd.s32 v10, v49  }
0x125: {  	vm14 =	vmand vm14, vm13;
	v50 =	vand.u32 $0xFFFFFF80, v19;
	v14 =	vor.u32 v14, v17  }
0x126: {  	v13 =	vnsel vm14, $0x0, v13;
	v19 =	vand.u32 $0x7F, v19;
	v17 =	vadd.s32 v10, v50  }
0x127: {  	vm8 =	veq.s32 v18, $0x1;
	v51 =	vand.u32 $0xFFFFFF80, v13;
	v17 =	vor.u32 v19, v17  }
0x128: {  	v16 =	vnsel vm8, $0x0, v16;
	v13 =	vand.u32 $0x7F, v13;
	v18 =	vadd.s32 v10, v51;
	v12 =	vld.idx.msk [tilespmem:v12+s14+$0x0], $0xffff  }
0x129: {  	vm3 =	vmor vm3, vm4;
	v52 =	vand.u32 $0xFFFFFF80, v16;
	v13 =	vor.u32 v13, v18  }
0x12a: {  	v53 =	vsel vm7, $0x3D088889, v1;
	v16 =	vand.u32 $0x7F, v16;
	v10 =	vadd.s32 v10, v52;
	v14 =	vld.idx.msk [tilespmem:v14+s14+$0x0], $0xffff  }
0x12b: {  	v54 =	vsel vm5, $0x3D4CCCCD, v53;
	vm15 =	veq.s32 v11, $0x7FF;
	v10 =	vor.u32 v16, v10  }
0x12c: {  	v55 =	vsel vm3, $0x3D088889, v1;
	vm2 =	vmor vm2, vm15;
	v16 =	vnsel vm12, $0x0, v54;
	v11 =	vld.idx.msk [tilespmem:v17+s14+$0x0], $0xffff  }
0x12d: {  	v17 =	vsel vm2, $0x3D4CCCCD, v55;
	v12 =	vmul.f32 v16, v12  }
0x12e: {  	v60 =	vsel vm1, $0x3D088889, v1;
	vm13 =	veq.s32 v9, $0x7FF;
	v13 =	vld.idx.msk [tilespmem:v13+s14+$0x0], $0xffff;
	v17 =	vnsel vm9, $0x0, v17  }
0x12f: {  	vm12 =	veq.s32 v9, $0x7FE;
	v14 =	vmul.f32 v17, v14;
	v12 =	vadd.f32 $0.0e+00, v12  }
0x130: {  	v58 =	vsel vm10, $0x3F666666, v2;
	v57 =	vsel vm12, $0x3D088889, v1;
	v10 =	vld.idx.msk [tilespmem:v10+s14+$0x0], $0xffff;
	v9 =	vadd.f32 v17, v16  }
0x131: {  	v59 =	vsel vm13, $0x3D4CCCCD, v57;
	v11 =	vmul.f32 v58, v11;
	v12 =	vadd.f32 v12, v14  }
0x132: {  	v56 =	vand.u32 $0x1, v15;
	v61 =	vnsel vm14, $0x0, v59;
	v9 =	vadd.f32 v9, v58  }
0x133: {  	v62 =	vmul.f32 v13, v61;
	v14 =	vsel vm0, $0x3D4CCCCD, v60;
	v11 =	vadd.f32 v12, v11  }
0x134: {  	vm15 =	veq.s32 v56, $0x1;
	v9 =	vadd.f32 v9, v61;
	v63 =	vnsel vm8, $0x0, v14  }
0x135: {  	vm14 =	vlt.s32 v15, $0x10;
	v10 =	vmul.f32 v10, v63;
	v11 =	vadd.f32 v11, v62  }
0x136: {  	vm0 =	vmand vm14, vm15;
	v9 =	vadd.f32 v9, v63  }
0x137: {  	v10 =	vadd.f32 v11, v10;
	v11 =	vsel vm0, $0x0, v4  }
0x138: {  	s19 =	sadd.s32 $0x10, s19;
	v9 =	vadd.f32 v9, v11  }
0x139: {  	s31 =	sadd.s32 $0x10, s20;
	[tilespmem:s19+$0x0] =	vst v10  }
0x13a: {  	[tilespmem:s31+$0x0] =	vst v9  }
0x13b: {  	[hbm4b:s9+s3] =	stream.linear.scatter [tilespmem:s16], [sflag:$0x1], $0x400, $0x38;
	[tilespmem:$0x10C80] =	vst v63  }
0x13c: {  	s18 =	sadd.s32 $0x1, s18;
	_ =	swait.ge [sflag:s15], $0x400  }
0x13d: {  	p3 =	sne.s32 s18, s11;
	[sflag:s15] =	ssyncset.done $0x0  }
.Ltmp2:
0x13e: {  	[sflag:s15] =	ssyncadd.s32 $0xFFFFFC00;
	(pc) =	sbr.rel @p3 .LBB2_1-.Ltmp2, $4  }
0x13f: {  	[hbm4b:s10+s3] =	stream.linear.scatter [tilespmem:s17], [sflag:$0x1], $0x400, $0x38;
	[tilespmem:$0x10C80] =	vst v63  }
0x140: {  	_ =	swait.ge [sflag:s15], $0x400  }
0x141: {  	[sflag:s15] =	ssyncset.done $0x0  }
0x142: {  	[sflag:s15] =	ssyncadd.s32 $0xFFFFFC00  }
0x143: {  	_ =	sfence.sel $0x180000  }
0x144: {  	[bflag:$0x0] =	sbarrier.arrive $0xFFFF  }
0x145: {  	p0 =	sne.s32 s2, $0x0;
	_ =	strace $0x90000047  }
0x146: {  	s0 =	sadd.s32 @!p0 $0x100000, s0;
	[bflag:$0x2] =	sbarrier.arrive $0xFFFF  }
0x147: {  	[sflag:s0] =	ssyncadd.tile.s32 @!p0 $0x1;
	_ =	shalt  }
.Lfunc_end2:
_tile_overlayer_lowered:
.L_overlay_start_2:
0x148: {  	(tag) =	ssettag $0x2  }
0x149: {  	s0 =	rddreg [dreg:$0x0];
	s2 =	stileid.u32  }
0x14a: {  	s1 =	rddreg [dreg:$0x1];
	p0 =	sne.s32 s2, $0x0  }
0x14b: {  	s3 =	rddreg [dreg:$0x2];
	[bflag:$0x3] =	sbarrier.arrive $0xFFFF;
	s2 =	simm.s32 @!p0 $0x1C01  }
0x14c: {  	[timem:s3], [sflag:s2] =	dma.local @!p0 [hbm:s0], s1  }
0x14d: {  	s0 =	simm.s32 @!p0 $0x1  }
0x14e: {  	_ =	swait.ge @!p0 [sflag:s0], s1  }
0x14f: {  	s1 =	ssub.s32 @!p0 $0x0, s1;
	[sflag:s0] =	ssyncset.done @!p0 $0x0  }
0x150: {  	[sflag:s0] =	ssyncadd.s32 @!p0 s1  }
0x151: {  	[bflag:$0x3] =	sbarrier.arrive $0xFFFF  }
0x152: {  	_ =	shalt  }

</sc_bundles>
